<compile_context>
chip_gen: v7x
topology: tpu7x:2x2x1
jax: 0.10.2.dev20260603
libtpu: 0.0.44.dev20260713+nightly
codegen_flags: <defaults>
</compile_context>

<pallas_src>
import functools

import jax
import jax.numpy as jnp
from jax import lax
from jax.experimental import pallas as pl
from jax.experimental.pallas import tpu as pltpu
from jax.experimental.pallas import tpu_sc as plsc

N = 10000
E = 320000
F_IN = 128
H = 128
C = 40
EPS = 1e-5

NC = 2
NS = 16
NW = NC * NS
CHUNK = 128
K = -(-E // (NW * CHUNK))
E_PAD = NW * K * CHUNK
ZROW = N
N_PAD = 10240
RPT = N_PAD // NS
C_PAD = 48
BLK = 1024

_mesh = lambda: plsc.VectorSubcoreMesh(core_axis_name="c", subcore_axis_name="s")


def _sc_deg(dst_slab, zvec):

    @functools.partial(
        pl.kernel,
        mesh=_mesh(),
        out_type=jax.ShapeDtypeStruct((NW, N_PAD), jnp.float32),
        scratch_types=[
            pltpu.VMEM((K, CHUNK), jnp.int32),
            pltpu.VMEM((N_PAD,), jnp.float32),
        ],
        compiler_params=pltpu.CompilerParams(needs_layout_passes=False),
    )
    def k(dst_hbm, z_hbm, out_hbm, dst_v, hist_v):
        c = lax.axis_index("c")
        s = lax.axis_index("s")
        wid = s * NC + c
        pltpu.sync_copy(dst_hbm.at[wid], dst_v)
        pltpu.sync_copy(z_hbm, hist_v)
        ones = jnp.ones((16,), jnp.float32)

        def body(j, carry):
            for l in range(CHUNK // 16):
                idx = dst_v[j, pl.ds(l * 16, 16)]
                plsc.addupdate_scatter(hist_v, [idx], ones)
            return carry

        lax.fori_loop(0, K, body, 0)
        pltpu.sync_copy(hist_v, out_hbm.at[wid])

    return k(dst_slab, zvec)


def _sc_agg(h, src_slab, dst_slab, zrows, feat):

    @functools.partial(
        pl.kernel,
        mesh=_mesh(),
        out_type=jax.ShapeDtypeStruct((NC, N_PAD, feat), jnp.float32),
        scratch_types=[
            pltpu.VMEM((K, CHUNK), jnp.int32),
            pltpu.VMEM((K, CHUNK), jnp.int32),
            pltpu.VMEM((CHUNK, feat), jnp.float32),
            pltpu.VMEM_SHARED((N_PAD, feat), jnp.float32),
            pltpu.SemaphoreType.DMA,
        ],
        compiler_params=pltpu.CompilerParams(use_tc_tiling_on_sc=False),
    )
    def k(h_hbm, src_hbm, dst_hbm, z_hbm, out_hbm, src_v, dst_v, buf, acc, sem):
        c = lax.axis_index("c")
        s = lax.axis_index("s")
        wid = s * NC + c
        pltpu.sync_copy(src_hbm.at[wid], src_v)
        pltpu.sync_copy(dst_hbm.at[wid], dst_v)
        pltpu.sync_copy(z_hbm, buf)
        for r in range(RPT // CHUNK):
            pltpu.sync_copy(buf, acc.at[pl.ds(s * RPT + r * CHUNK, CHUNK)])
        plsc.subcore_barrier()

        def body(j, carry):
            pltpu.async_copy(h_hbm.at[src_v.at[j]], buf, sem).wait()
            pltpu.sync_copy(buf, acc.at[dst_v.at[j]], add=True)
            return carry

        lax.fori_loop(0, K, body, 0)
        plsc.subcore_barrier()
        pltpu.sync_copy(acc.at[pl.ds(s * RPT, RPT)],
                        out_hbm.at[c, pl.ds(s * RPT, RPT)])

    return k(h, src_slab, dst_slab, zrows)


def _tc1(deg_t, x_pad, W1):

    def body(degp, xb, w, dinv_o, u_o):
        deg = jnp.sum(degp[...], axis=1, keepdims=True) + 1.0
        dv = lax.rsqrt(deg)
        dinv_o[...] = dv
        u = jnp.dot(xb[...], w[...], preferred_element_type=jnp.float32)
        u_o[...] = u * dv

    grid = (N_PAD // BLK,)
    return pl.pallas_call(
        body,
        grid=grid,
        in_specs=[
            pl.BlockSpec((BLK, NW), lambda i: (i, 0)),
            pl.BlockSpec((BLK, F_IN), lambda i: (i, 0)),
            pl.BlockSpec((F_IN, H), lambda i: (0, 0)),
        ],
        out_specs=[
            pl.BlockSpec((BLK, 1), lambda i: (i, 0)),
            pl.BlockSpec((BLK, H), lambda i: (i, 0)),
        ],
        out_shape=[
            jax.ShapeDtypeStruct((N_PAD, 1), jnp.float32),
            jax.ShapeDtypeStruct((N_PAD, H), jnp.float32),
        ],
    )(deg_t, x_pad, W1)


def _tc_layer(p0, p1, us, dinv, b, g, be, W_next, x_res, feat_out):
    feat_in = us.shape[1]
    bnscale = 1.0 / (1.0 + EPS) ** 0.5

    def body(*refs):
        if x_res is not None:
            p0r, p1r, usr, dvr, br, gr, ber, wr, xr, out_o = refs
        else:
            p0r, p1r, usr, dvr, br, gr, ber, wr, out_o = refs
        i = pl.program_id(0)
        dv = dvr[...]
        conv = (p0r[...] + p1r[...] + usr[...]) * dv + br[...]
        hcur = conv * (gr[...] * bnscale) + ber[...]
        if x_res is not None:
            hcur = hcur + xr[...]
        hcur = jnp.maximum(hcur, 0.0)
        u = jnp.dot(hcur, wr[...], preferred_element_type=jnp.float32)
        rowid = lax.broadcasted_iota(jnp.int32, (BLK, 1), 0) + i * BLK
        out_o[...] = jnp.where(rowid < N, u * dv, 0.0)

    grid = (N_PAD // BLK,)
    fspec = pl.BlockSpec((BLK, feat_in), lambda i: (i, 0))
    vspec = pl.BlockSpec((1, feat_in), lambda i: (0, 0))
    in_specs = [fspec, fspec, fspec,
                pl.BlockSpec((BLK, 1), lambda i: (i, 0)),
                vspec, vspec, vspec,
                pl.BlockSpec((feat_in, feat_out), lambda i: (0, 0))]
    args = [p0, p1, us, dinv, b, g, be, W_next]
    if x_res is not None:
        in_specs.append(fspec)
        args.append(x_res)
    return pl.pallas_call(
        body,
        grid=grid,
        in_specs=in_specs,
        out_specs=pl.BlockSpec((BLK, feat_out), lambda i: (i, 0)),
        out_shape=jax.ShapeDtypeStruct((N_PAD, feat_out), jnp.float32),
    )(*args)


def _tc_final(p0, p1, us, dinv, b3p):

    def body(p0r, p1r, usr, dvr, br, out_o):
        conv = (p0r[...] + p1r[...] + usr[...]) * dvr[...] + br[...]
        colid = lax.broadcasted_iota(jnp.int32, (BLK, C_PAD), 1)
        valid = colid < C
        neg = jnp.float32(-1e30)
        mx = jnp.max(jnp.where(valid, conv, neg), axis=1, keepdims=True)
        z = conv - mx
        ssum = jnp.sum(jnp.where(valid, jnp.exp(z), 0.0), axis=1, keepdims=True)
        out_o[...] = z - jnp.log(ssum)

    grid = (N_PAD // BLK,)
    fspec = pl.BlockSpec((BLK, C_PAD), lambda i: (i, 0))
    return pl.pallas_call(
        body,
        grid=grid,
        in_specs=[fspec, fspec, fspec,
                  pl.BlockSpec((BLK, 1), lambda i: (i, 0)),
                  pl.BlockSpec((1, C_PAD), lambda i: (0, 0))],
        out_specs=fspec,
        out_shape=jax.ShapeDtypeStruct((N_PAD, C_PAD), jnp.float32),
    )(p0, p1, us, dinv, b3p)


def kernel(x, edge_index, W1, b1, g1, be1, W2, b2, g2, be2, W3, b3):
    padi = jnp.full((E_PAD - E,), ZROW, jnp.int32)
    src_slab = jnp.concatenate([edge_index[0], padi]).reshape(NW, K, CHUNK)
    dst_slab = jnp.concatenate([edge_index[1], padi]).reshape(NW, K, CHUNK)
    x_pad = jnp.zeros((N_PAD, F_IN), jnp.float32).at[:N].set(x)
    zvec = jnp.zeros((N_PAD,), jnp.float32)
    zrows_h = jnp.zeros((CHUNK, H), jnp.float32)
    zrows_c = jnp.zeros((CHUNK, C_PAD), jnp.float32)
    W3p = jnp.zeros((H, C_PAD), jnp.float32).at[:, :C].set(W3)
    b1r = b1.reshape(1, H)
    g1r = g1.reshape(1, H)
    be1r = be1.reshape(1, H)
    b2r = b2.reshape(1, H)
    g2r = g2.reshape(1, H)
    be2r = be2.reshape(1, H)
    b3p = jnp.zeros((1, C_PAD), jnp.float32).at[0, :C].set(b3)

    deg_parts = _sc_deg(dst_slab, zvec)
    deg_t = deg_parts.T
    dinv, u1s = _tc1(deg_t, x_pad, W1)

    parts = _sc_agg(u1s, src_slab, dst_slab, zrows_h, H)
    u2s = _tc_layer(parts[0], parts[1], u1s, dinv, b1r, g1r, be1r, W2,
                    x_pad, H)
    parts = _sc_agg(u2s, src_slab, dst_slab, zrows_h, H)
    u3s = _tc_layer(parts[0], parts[1], u2s, dinv, b2r, g2r, be2r, W3p,
                    None, C_PAD)
    parts = _sc_agg(u3s, src_slab, dst_slab, zrows_c, C_PAD)
    out = _tc_final(parts[0], parts[1], u3s, dinv, b3p)
    return out[:N, :C]

# --- scband reference (transcript-rebuilt; emitter-appended) ---
"""Pipeline reference for scband-enhanced-graph-neural-network-4810363372589 (READ-ONLY COPY).

The authoritative reference and input builder live on the scoring server;
editing this copy changes nothing except your own understanding.
"""

import jax, jax.numpy as jnp
import numpy as np

N = 10000
E = 320000
F_IN = 128
H = 128
C = 40
EPS = 1e-5


def setup_inputs(seed: int = 0) -> dict:
    key = jax.random.key(seed)
    ks = jax.random.split(key, 12)
    x = jax.random.normal(ks[0], (N, F_IN), dtype=jnp.float32)
    edge_index = jax.random.randint(ks[1], (2, E), 0, N, dtype=jnp.int32)
    W1 = jax.random.normal(ks[2], (F_IN, H), dtype=jnp.float32) * 0.05
    b1 = jnp.zeros((H,), dtype=jnp.float32)
    g1 = jnp.ones((H,), dtype=jnp.float32)
    be1 = jnp.zeros((H,), dtype=jnp.float32)
    W2 = jax.random.normal(ks[3], (H, H), dtype=jnp.float32) * 0.05
    b2 = jnp.zeros((H,), dtype=jnp.float32)
    g2 = jnp.ones((H,), dtype=jnp.float32)
    be2 = jnp.zeros((H,), dtype=jnp.float32)
    W3 = jax.random.normal(ks[4], (H, C), dtype=jnp.float32) * 0.05
    b3 = jnp.zeros((C,), dtype=jnp.float32)
    return {"x": x, "edge_index": edge_index, "W1": W1, "b1": b1, "g1": g1, "be1": be1,
            "W2": W2, "b2": b2, "g2": g2, "be2": be2, "W3": W3, "b3": b3}


def _gcn_conv(x, edge_index, W, b):
    # PyG GCNConv: x' = D^{-1/2} (A+I) D^{-1/2} (X W) + b
    h = x @ W
    loop = jnp.arange(N, dtype=edge_index.dtype)
    src = jnp.concatenate([edge_index[0], loop])
    dst = jnp.concatenate([edge_index[1], loop])
    deg = jnp.zeros((N,), dtype=h.dtype).at[dst].add(1.0)
    dinv = jnp.where(deg > 0, jax.lax.rsqrt(deg), 0.0)
    norm = dinv[src] * dinv[dst]
    msg = h[src] * norm[:, None]
    out = jnp.zeros((N, h.shape[1]), dtype=h.dtype).at[dst].add(msg)
    return out + b


def _bn_eval(x, g, b):
    # BatchNorm1d in eval mode with running_mean=0, running_var=1
    return x / jnp.sqrt(1.0 + EPS) * g + b


def _log_softmax(x):
    m = jnp.max(x, axis=1, keepdims=True)
    z = x - m
    return z - jnp.log(jnp.sum(jnp.exp(z), axis=1, keepdims=True))


def reference(x, edge_index, W1, b1, g1, be1, W2, b2, g2, be2, W3, b3):
    original_x = x
    # layer 0
    h = _gcn_conv(x, edge_index, W1, b1)
    h = _bn_eval(h, g1, be1)
    # residual: hidden_dim == num_features, so residual applies at i == 0
    h = h + original_x
    h = jax.nn.relu(h)
    # dropout is a no-op in eval mode
    # layer 1
    h = _gcn_conv(h, edge_index, W2, b2)
    h = _bn_eval(h, g2, be2)
    h = jax.nn.relu(h)
    # layer 2 (output)
    h = _gcn_conv(h, edge_index, W3, b3)
    return _log_softmax(h)

if __name__ == "__main__":
    import jax
    _d = setup_inputs()
    print(jax.jit(kernel)(*tuple(_d.values())))

</pallas_src>

<mosaic_0001>
#map = affine_map<(d0, d1) -> (0, 0)>
#map1 = affine_map<(d0, d1) -> (0, 0, 0)>
module attributes {stable_mosaic.version = 14 : i64} {
  func.func @k(%arg0: i32, %arg1: i32, %arg2: memref<10240x128xf32, #tpu.memory_space<hbm>>, %arg3: memref<32x79x128xi32, #tpu.memory_space<hbm>>, %arg4: memref<32x79x128xi32, #tpu.memory_space<hbm>>, %arg5: memref<128x128xf32, #tpu.memory_space<hbm>>, %arg6: memref<2x10240x128xf32, #tpu.memory_space<hbm>>, %arg7: memref<79x128xi32, #tpu.memory_space<vmem>>, %arg8: memref<79x128xi32, #tpu.memory_space<vmem>>, %arg9: memref<128x128xf32, #tpu.memory_space<vmem>>, %arg10: memref<10240x128xf32, #tpu.memory_space<vmem_shared>>, %arg11: memref<!tpu.dma_semaphore, #tpu.memory_space<semaphore_mem>>) attributes {dimension_semantics = [#tpu.dimension_semantics<core_parallel>, #tpu.dimension_semantics<subcore_parallel>], iteration_bounds = array<i64: 2, 16>, scalar_prefetch = 0 : i64, scratch_operands = 5 : i64, tpu.core_type = #tpu.core_type<sc_vector_subcore>, window_params = [{transform_indices = #map}, {transform_indices = #map1}, {transform_indices = #map1}, {transform_indices = #map}, {transform_indices = #map1}]} {
    %mul3A = arith.constant 2 : i32
    %mul3A_0 = arith.muli %arg1, %mul3A : i32
    %add3A = arith.addi %mul3A_0, %arg0 : i32
    "tpu.region"() ({
      %run_scoped3A = tpu.sem_alloc : memref<!tpu.dma_semaphore, #tpu.memory_space<semaphore_mem>>
      %dma_start3A = arith.constant 0 : i32
      %dma_start3A_31 = arith.constant 0 : i32
      %dma_start3A_32 = tpu.memref_slice %arg3[%add3A, %dma_start3A, %dma_start3A_31] : memref<32x79x128xi32, #tpu.memory_space<hbm>> -> memref<1x79x128xi32, #tpu.memory_space<hbm>>
      %dma_start3A_33 = tpu.memref_squeeze %dma_start3A_32 : memref<1x79x128xi32, #tpu.memory_space<hbm>> -> memref<79x128xi32, #tpu.memory_space<hbm>>
      %dma_start3A_34 = arith.constant 0 : i32
      %dma_start3A_35 = arith.constant 0 : i32
      %dma_start3A_36 = tpu.memref_slice %arg3[%add3A, %dma_start3A_34, %dma_start3A_35] : memref<32x79x128xi32, #tpu.memory_space<hbm>> -> memref<1x79x128xi32, #tpu.memory_space<hbm>>
      %dma_start3A_37 = tpu.memref_squeeze %dma_start3A_36 : memref<1x79x128xi32, #tpu.memory_space<hbm>> -> memref<79x128xi32, #tpu.memory_space<hbm>>
      tpu.enqueue_dma source(%dma_start3A_37 : memref<79x128xi32, #tpu.memory_space<hbm>>) target(%arg7 : memref<79x128xi32, #tpu.memory_space<vmem>>) target_semaphore(%run_scoped3A : memref<!tpu.dma_semaphore, #tpu.memory_space<semaphore_mem>>)
      %dma_wait3A = arith.constant 0 : i32
      %dma_wait3A_38 = arith.constant 0 : i32
      %dma_wait3A_39 = tpu.memref_slice %arg3[%add3A, %dma_wait3A, %dma_wait3A_38] : memref<32x79x128xi32, #tpu.memory_space<hbm>> -> memref<1x79x128xi32, #tpu.memory_space<hbm>>
      %dma_wait3A_40 = tpu.memref_squeeze %dma_wait3A_39 : memref<1x79x128xi32, #tpu.memory_space<hbm>> -> memref<79x128xi32, #tpu.memory_space<hbm>>
      %dma_wait3A_41 = arith.constant 0 : i32
      %dma_wait3A_42 = arith.constant 0 : i32
      %dma_wait3A_43 = tpu.memref_slice %arg3[%add3A, %dma_wait3A_41, %dma_wait3A_42] : memref<32x79x128xi32, #tpu.memory_space<hbm>> -> memref<1x79x128xi32, #tpu.memory_space<hbm>>
      %dma_wait3A_44 = tpu.memref_squeeze %dma_wait3A_43 : memref<1x79x128xi32, #tpu.memory_space<hbm>> -> memref<79x128xi32, #tpu.memory_space<hbm>>
      tpu.wait_dma2 semaphore(%run_scoped3A : memref<!tpu.dma_semaphore, #tpu.memory_space<semaphore_mem>>) src(%dma_wait3A_44 : memref<79x128xi32, #tpu.memory_space<hbm>>) dst(%arg7 : memref<79x128xi32, #tpu.memory_space<vmem>>)
      tpu.yield
    }) : () -> ()
    "tpu.region"() ({
      %run_scoped3A = tpu.sem_alloc : memref<!tpu.dma_semaphore, #tpu.memory_space<semaphore_mem>>
      %dma_start3A = arith.constant 0 : i32
      %dma_start3A_31 = arith.constant 0 : i32
      %dma_start3A_32 = tpu.memref_slice %arg4[%add3A, %dma_start3A, %dma_start3A_31] : memref<32x79x128xi32, #tpu.memory_space<hbm>> -> memref<1x79x128xi32, #tpu.memory_space<hbm>>
      %dma_start3A_33 = tpu.memref_squeeze %dma_start3A_32 : memref<1x79x128xi32, #tpu.memory_space<hbm>> -> memref<79x128xi32, #tpu.memory_space<hbm>>
      %dma_start3A_34 = arith.constant 0 : i32
      %dma_start3A_35 = arith.constant 0 : i32
      %dma_start3A_36 = tpu.memref_slice %arg4[%add3A, %dma_start3A_34, %dma_start3A_35] : memref<32x79x128xi32, #tpu.memory_space<hbm>> -> memref<1x79x128xi32, #tpu.memory_space<hbm>>
      %dma_start3A_37 = tpu.memref_squeeze %dma_start3A_36 : memref<1x79x128xi32, #tpu.memory_space<hbm>> -> memref<79x128xi32, #tpu.memory_space<hbm>>
      tpu.enqueue_dma source(%dma_start3A_37 : memref<79x128xi32, #tpu.memory_space<hbm>>) target(%arg8 : memref<79x128xi32, #tpu.memory_space<vmem>>) target_semaphore(%run_scoped3A : memref<!tpu.dma_semaphore, #tpu.memory_space<semaphore_mem>>)
      %dma_wait3A = arith.constant 0 : i32
      %dma_wait3A_38 = arith.constant 0 : i32
      %dma_wait3A_39 = tpu.memref_slice %arg4[%add3A, %dma_wait3A, %dma_wait3A_38] : memref<32x79x128xi32, #tpu.memory_space<hbm>> -> memref<1x79x128xi32, #tpu.memory_space<hbm>>
      %dma_wait3A_40 = tpu.memref_squeeze %dma_wait3A_39 : memref<1x79x128xi32, #tpu.memory_space<hbm>> -> memref<79x128xi32, #tpu.memory_space<hbm>>
      %dma_wait3A_41 = arith.constant 0 : i32
      %dma_wait3A_42 = arith.constant 0 : i32
      %dma_wait3A_43 = tpu.memref_slice %arg4[%add3A, %dma_wait3A_41, %dma_wait3A_42] : memref<32x79x128xi32, #tpu.memory_space<hbm>> -> memref<1x79x128xi32, #tpu.memory_space<hbm>>
      %dma_wait3A_44 = tpu.memref_squeeze %dma_wait3A_43 : memref<1x79x128xi32, #tpu.memory_space<hbm>> -> memref<79x128xi32, #tpu.memory_space<hbm>>
      tpu.wait_dma2 semaphore(%run_scoped3A : memref<!tpu.dma_semaphore, #tpu.memory_space<semaphore_mem>>) src(%dma_wait3A_44 : memref<79x128xi32, #tpu.memory_space<hbm>>) dst(%arg8 : memref<79x128xi32, #tpu.memory_space<vmem>>)
      tpu.yield
    }) : () -> ()
    "tpu.region"() ({
      %run_scoped3A = tpu.sem_alloc : memref<!tpu.dma_semaphore, #tpu.memory_space<semaphore_mem>>
      tpu.enqueue_dma source(%arg5 : memref<128x128xf32, #tpu.memory_space<hbm>>) target(%arg9 : memref<128x128xf32, #tpu.memory_space<vmem>>) target_semaphore(%run_scoped3A : memref<!tpu.dma_semaphore, #tpu.memory_space<semaphore_mem>>)
      tpu.wait_dma2 semaphore(%run_scoped3A : memref<!tpu.dma_semaphore, #tpu.memory_space<semaphore_mem>>) src(%arg5 : memref<128x128xf32, #tpu.memory_space<hbm>>) dst(%arg9 : memref<128x128xf32, #tpu.memory_space<vmem>>)
      tpu.yield
    }) : () -> ()
    %mul3A_1 = arith.constant 640 : i32
    %mul3A_2 = arith.muli %arg1, %mul3A_1 : i32
    %add3A_3 = arith.constant 0 : i32
    %add3A_4 = arith.addi %mul3A_2, %add3A_3 : i32
    "tpu.region"() ({
      %run_scoped3A = tpu.sem_alloc : memref<!tpu.dma_semaphore, #tpu.memory_space<semaphore_mem>>
      %dma_start3A = arith.constant 0 : i32
      %dma_start3A_31 = tpu.memref_slice %arg10[%add3A_4, %dma_start3A] : memref<10240x128xf32, #tpu.memory_space<vmem_shared>> -> memref<128x128xf32, #tpu.memory_space<vmem_shared>>
      %dma_start3A_32 = arith.constant 0 : i32
      %dma_start3A_33 = tpu.memref_slice %arg10[%add3A_4, %dma_start3A_32] : memref<10240x128xf32, #tpu.memory_space<vmem_shared>> -> memref<128x128xf32, #tpu.memory_space<vmem_shared>>
      tpu.enqueue_dma source(%arg9 : memref<128x128xf32, #tpu.memory_space<vmem>>) target(%dma_start3A_33 : memref<128x128xf32, #tpu.memory_space<vmem_shared>>) target_semaphore(%run_scoped3A : memref<!tpu.dma_semaphore, #tpu.memory_space<semaphore_mem>>)
      %dma_wait3A = arith.constant 0 : i32
      %dma_wait3A_34 = tpu.memref_slice %arg10[%add3A_4, %dma_wait3A] : memref<10240x128xf32, #tpu.memory_space<vmem_shared>> -> memref<128x128xf32, #tpu.memory_space<vmem_shared>>
      %dma_wait3A_35 = arith.constant 0 : i32
      %dma_wait3A_36 = tpu.memref_slice %arg10[%add3A_4, %dma_wait3A_35] : memref<10240x128xf32, #tpu.memory_space<vmem_shared>> -> memref<128x128xf32, #tpu.memory_space<vmem_shared>>
      tpu.wait_dma2 semaphore(%run_scoped3A : memref<!tpu.dma_semaphore, #tpu.memory_space<semaphore_mem>>) src(%arg9 : memref<128x128xf32, #tpu.memory_space<vmem>>) dst(%dma_wait3A_36 : memref<128x128xf32, #tpu.memory_space<vmem_shared>>)
      tpu.yield
    }) : () -> ()
    %mul3A_5 = arith.constant 640 : i32
    %mul3A_6 = arith.muli %arg1, %mul3A_5 : i32
    %add3A_7 = arith.constant 128 : i32
    %add3A_8 = arith.addi %mul3A_6, %add3A_7 : i32
    "tpu.region"() ({
      %run_scoped3A = tpu.sem_alloc : memref<!tpu.dma_semaphore, #tpu.memory_space<semaphore_mem>>
      %dma_start3A = arith.constant 0 : i32
      %dma_start3A_31 = tpu.memref_slice %arg10[%add3A_8, %dma_start3A] : memref<10240x128xf32, #tpu.memory_space<vmem_shared>> -> memref<128x128xf32, #tpu.memory_space<vmem_shared>>
      %dma_start3A_32 = arith.constant 0 : i32
      %dma_start3A_33 = tpu.memref_slice %arg10[%add3A_8, %dma_start3A_32] : memref<10240x128xf32, #tpu.memory_space<vmem_shared>> -> memref<128x128xf32, #tpu.memory_space<vmem_shared>>
      tpu.enqueue_dma source(%arg9 : memref<128x128xf32, #tpu.memory_space<vmem>>) target(%dma_start3A_33 : memref<128x128xf32, #tpu.memory_space<vmem_shared>>) target_semaphore(%run_scoped3A : memref<!tpu.dma_semaphore, #tpu.memory_space<semaphore_mem>>)
      %dma_wait3A = arith.constant 0 : i32
      %dma_wait3A_34 = tpu.memref_slice %arg10[%add3A_8, %dma_wait3A] : memref<10240x128xf32, #tpu.memory_space<vmem_shared>> -> memref<128x128xf32, #tpu.memory_space<vmem_shared>>
      %dma_wait3A_35 = arith.constant 0 : i32
      %dma_wait3A_36 = tpu.memref_slice %arg10[%add3A_8, %dma_wait3A_35] : memref<10240x128xf32, #tpu.memory_space<vmem_shared>> -> memref<128x128xf32, #tpu.memory_space<vmem_shared>>
      tpu.wait_dma2 semaphore(%run_scoped3A : memref<!tpu.dma_semaphore, #tpu.memory_space<semaphore_mem>>) src(%arg9 : memref<128x128xf32, #tpu.memory_space<vmem>>) dst(%dma_wait3A_36 : memref<128x128xf32, #tpu.memory_space<vmem_shared>>)
      tpu.yield
    }) : () -> ()
    %mul3A_9 = arith.constant 640 : i32
    %mul3A_10 = arith.muli %arg1, %mul3A_9 : i32
    %add3A_11 = arith.constant 256 : i32
    %add3A_12 = arith.addi %mul3A_10, %add3A_11 : i32
    "tpu.region"() ({
      %run_scoped3A = tpu.sem_alloc : memref<!tpu.dma_semaphore, #tpu.memory_space<semaphore_mem>>
      %dma_start3A = arith.constant 0 : i32
      %dma_start3A_31 = tpu.memref_slice %arg10[%add3A_12, %dma_start3A] : memref<10240x128xf32, #tpu.memory_space<vmem_shared>> -> memref<128x128xf32, #tpu.memory_space<vmem_shared>>
      %dma_start3A_32 = arith.constant 0 : i32
      %dma_start3A_33 = tpu.memref_slice %arg10[%add3A_12, %dma_start3A_32] : memref<10240x128xf32, #tpu.memory_space<vmem_shared>> -> memref<128x128xf32, #tpu.memory_space<vmem_shared>>
      tpu.enqueue_dma source(%arg9 : memref<128x128xf32, #tpu.memory_space<vmem>>) target(%dma_start3A_33 : memref<128x128xf32, #tpu.memory_space<vmem_shared>>) target_semaphore(%run_scoped3A : memref<!tpu.dma_semaphore, #tpu.memory_space<semaphore_mem>>)
      %dma_wait3A = arith.constant 0 : i32
      %dma_wait3A_34 = tpu.memref_slice %arg10[%add3A_12, %dma_wait3A] : memref<10240x128xf32, #tpu.memory_space<vmem_shared>> -> memref<128x128xf32, #tpu.memory_space<vmem_shared>>
      %dma_wait3A_35 = arith.constant 0 : i32
      %dma_wait3A_36 = tpu.memref_slice %arg10[%add3A_12, %dma_wait3A_35] : memref<10240x128xf32, #tpu.memory_space<vmem_shared>> -> memref<128x128xf32, #tpu.memory_space<vmem_shared>>
      tpu.wait_dma2 semaphore(%run_scoped3A : memref<!tpu.dma_semaphore, #tpu.memory_space<semaphore_mem>>) src(%arg9 : memref<128x128xf32, #tpu.memory_space<vmem>>) dst(%dma_wait3A_36 : memref<128x128xf32, #tpu.memory_space<vmem_shared>>)
      tpu.yield
    }) : () -> ()
    %mul3A_13 = arith.constant 640 : i32
    %mul3A_14 = arith.muli %arg1, %mul3A_13 : i32
    %add3A_15 = arith.constant 384 : i32
    %add3A_16 = arith.addi %mul3A_14, %add3A_15 : i32
    "tpu.region"() ({
      %run_scoped3A = tpu.sem_alloc : memref<!tpu.dma_semaphore, #tpu.memory_space<semaphore_mem>>
      %dma_start3A = arith.constant 0 : i32
      %dma_start3A_31 = tpu.memref_slice %arg10[%add3A_16, %dma_start3A] : memref<10240x128xf32, #tpu.memory_space<vmem_shared>> -> memref<128x128xf32, #tpu.memory_space<vmem_shared>>
      %dma_start3A_32 = arith.constant 0 : i32
      %dma_start3A_33 = tpu.memref_slice %arg10[%add3A_16, %dma_start3A_32] : memref<10240x128xf32, #tpu.memory_space<vmem_shared>> -> memref<128x128xf32, #tpu.memory_space<vmem_shared>>
      tpu.enqueue_dma source(%arg9 : memref<128x128xf32, #tpu.memory_space<vmem>>) target(%dma_start3A_33 : memref<128x128xf32, #tpu.memory_space<vmem_shared>>) target_semaphore(%run_scoped3A : memref<!tpu.dma_semaphore, #tpu.memory_space<semaphore_mem>>)
      %dma_wait3A = arith.constant 0 : i32
      %dma_wait3A_34 = tpu.memref_slice %arg10[%add3A_16, %dma_wait3A] : memref<10240x128xf32, #tpu.memory_space<vmem_shared>> -> memref<128x128xf32, #tpu.memory_space<vmem_shared>>
      %dma_wait3A_35 = arith.constant 0 : i32
      %dma_wait3A_36 = tpu.memref_slice %arg10[%add3A_16, %dma_wait3A_35] : memref<10240x128xf32, #tpu.memory_space<vmem_shared>> -> memref<128x128xf32, #tpu.memory_space<vmem_shared>>
      tpu.wait_dma2 semaphore(%run_scoped3A : memref<!tpu.dma_semaphore, #tpu.memory_space<semaphore_mem>>) src(%arg9 : memref<128x128xf32, #tpu.memory_space<vmem>>) dst(%dma_wait3A_36 : memref<128x128xf32, #tpu.memory_space<vmem_shared>>)
      tpu.yield
    }) : () -> ()
    %mul3A_17 = arith.constant 640 : i32
    %mul3A_18 = arith.muli %arg1, %mul3A_17 : i32
    %add3A_19 = arith.constant 512 : i32
    %add3A_20 = arith.addi %mul3A_18, %add3A_19 : i32
    "tpu.region"() ({
      %run_scoped3A = tpu.sem_alloc : memref<!tpu.dma_semaphore, #tpu.memory_space<semaphore_mem>>
      %dma_start3A = arith.constant 0 : i32
      %dma_start3A_31 = tpu.memref_slice %arg10[%add3A_20, %dma_start3A] : memref<10240x128xf32, #tpu.memory_space<vmem_shared>> -> memref<128x128xf32, #tpu.memory_space<vmem_shared>>
      %dma_start3A_32 = arith.constant 0 : i32
      %dma_start3A_33 = tpu.memref_slice %arg10[%add3A_20, %dma_start3A_32] : memref<10240x128xf32, #tpu.memory_space<vmem_shared>> -> memref<128x128xf32, #tpu.memory_space<vmem_shared>>
      tpu.enqueue_dma source(%arg9 : memref<128x128xf32, #tpu.memory_space<vmem>>) target(%dma_start3A_33 : memref<128x128xf32, #tpu.memory_space<vmem_shared>>) target_semaphore(%run_scoped3A : memref<!tpu.dma_semaphore, #tpu.memory_space<semaphore_mem>>)
      %dma_wait3A = arith.constant 0 : i32
      %dma_wait3A_34 = tpu.memref_slice %arg10[%add3A_20, %dma_wait3A] : memref<10240x128xf32, #tpu.memory_space<vmem_shared>> -> memref<128x128xf32, #tpu.memory_space<vmem_shared>>
      %dma_wait3A_35 = arith.constant 0 : i32
      %dma_wait3A_36 = tpu.memref_slice %arg10[%add3A_20, %dma_wait3A_35] : memref<10240x128xf32, #tpu.memory_space<vmem_shared>> -> memref<128x128xf32, #tpu.memory_space<vmem_shared>>
      tpu.wait_dma2 semaphore(%run_scoped3A : memref<!tpu.dma_semaphore, #tpu.memory_space<semaphore_mem>>) src(%arg9 : memref<128x128xf32, #tpu.memory_space<vmem>>) dst(%dma_wait3A_36 : memref<128x128xf32, #tpu.memory_space<vmem_shared>>)
      tpu.yield
    }) : () -> ()
    %barrier3A = arith.constant 0 : index
    tpu.barrier barrier_id(%barrier3A)
    %scan3A = arith.constant 0 : i32
    %scan3A_21 = arith.constant 0 : i32
    %scan3A_22 = arith.constant 79 : i32
    %scan3A_23 = arith.addi %scan3A_21, %scan3A_22 : i32
    %scan3A_24 = arith.constant 1 : i32
    scf.for %scan3A_31 = %scan3A_21 to %scan3A_23 step %scan3A_24  : i32 {
      %dma_start3A = arith.constant 0 : i32
      %dma_start3A_32 = tpu.memref_slice %arg7[%scan3A_31, %dma_start3A] : memref<79x128xi32, #tpu.memory_space<vmem>> -> memref<1x128xi32, #tpu.memory_space<vmem>>
      %dma_start3A_33 = tpu.memref_squeeze %dma_start3A_32 : memref<1x128xi32, #tpu.memory_space<vmem>> -> memref<128xi32, #tpu.memory_space<vmem>>
      %dma_start3A_34 = arith.constant 0 : i32
      %dma_start3A_35 = arith.constant 0 : i32
      %dma_start3A_36 = tpu.memref_slice %arg2[%dma_start3A_34, %dma_start3A_35] : memref<10240x128xf32, #tpu.memory_space<hbm>> -> memref<10240x128xf32, #tpu.memory_space<hbm>>
      tpu.enqueue_indirect_dma source(%dma_start3A_36 : memref<10240x128xf32, #tpu.memory_space<hbm>>) target(%arg9 : memref<128x128xf32, #tpu.memory_space<vmem>>) offsets(%dma_start3A_33 : memref<128xi32, #tpu.memory_space<vmem>>) semaphore(%arg11 : memref<!tpu.dma_semaphore, #tpu.memory_space<semaphore_mem>>)
      %dma_wait3A = arith.constant 0 : i32
      %dma_wait3A_37 = tpu.memref_slice %arg7[%scan3A_31, %dma_wait3A] : memref<79x128xi32, #tpu.memory_space<vmem>> -> memref<1x128xi32, #tpu.memory_space<vmem>>
      %dma_wait3A_38 = tpu.memref_squeeze %dma_wait3A_37 : memref<1x128xi32, #tpu.memory_space<vmem>> -> memref<128xi32, #tpu.memory_space<vmem>>
      %dma_wait3A_39 = arith.constant 0 : i32
      %dma_wait3A_40 = arith.constant 0 : i32
      %dma_wait3A_41 = tpu.memref_slice %arg2[%dma_wait3A_39, %dma_wait3A_40] : memref<10240x128xf32, #tpu.memory_space<hbm>> -> memref<10240x128xf32, #tpu.memory_space<hbm>>
      tpu.wait_indirect_dma semaphore(%arg11 : memref<!tpu.dma_semaphore, #tpu.memory_space<semaphore_mem>>) src(%dma_wait3A_41 : memref<10240x128xf32, #tpu.memory_space<hbm>>) dst(%arg9 : memref<128x128xf32, #tpu.memory_space<vmem>>)
      "tpu.region"() ({
        %run_scoped3A = tpu.sem_alloc : memref<!tpu.dma_semaphore, #tpu.memory_space<semaphore_mem>>
        %dma_start3A_42 = arith.constant 0 : i32
        %dma_start3A_43 = tpu.memref_slice %arg8[%scan3A_31, %dma_start3A_42] : memref<79x128xi32, #tpu.memory_space<vmem>> -> memref<1x128xi32, #tpu.memory_space<vmem>>
        %dma_start3A_44 = tpu.memref_squeeze %dma_start3A_43 : memref<1x128xi32, #tpu.memory_space<vmem>> -> memref<128xi32, #tpu.memory_space<vmem>>
        %dma_start3A_45 = arith.constant 0 : i32
        %dma_start3A_46 = arith.constant 0 : i32
        %dma_start3A_47 = tpu.memref_slice %arg10[%dma_start3A_45, %dma_start3A_46] : memref<10240x128xf32, #tpu.memory_space<vmem_shared>> -> memref<10240x128xf32, #tpu.memory_space<vmem_shared>>
        tpu.enqueue_indirect_dma source(%arg9 : memref<128x128xf32, #tpu.memory_space<vmem>>) target(%dma_start3A_47 : memref<10240x128xf32, #tpu.memory_space<vmem_shared>>) offsets(%dma_start3A_44 : memref<128xi32, #tpu.memory_space<vmem>>) semaphore(%run_scoped3A : memref<!tpu.dma_semaphore, #tpu.memory_space<semaphore_mem>>) {add = true}
        %dma_wait3A_48 = arith.constant 0 : i32
        %dma_wait3A_49 = tpu.memref_slice %arg8[%scan3A_31, %dma_wait3A_48] : memref<79x128xi32, #tpu.memory_space<vmem>> -> memref<1x128xi32, #tpu.memory_space<vmem>>
        %dma_wait3A_50 = tpu.memref_squeeze %dma_wait3A_49 : memref<1x128xi32, #tpu.memory_space<vmem>> -> memref<128xi32, #tpu.memory_space<vmem>>
        %dma_wait3A_51 = arith.constant 0 : i32
        %dma_wait3A_52 = arith.constant 0 : i32
        %dma_wait3A_53 = tpu.memref_slice %arg10[%dma_wait3A_51, %dma_wait3A_52] : memref<10240x128xf32, #tpu.memory_space<vmem_shared>> -> memref<10240x128xf32, #tpu.memory_space<vmem_shared>>
        tpu.wait_indirect_dma semaphore(%run_scoped3A : memref<!tpu.dma_semaphore, #tpu.memory_space<semaphore_mem>>) src(%arg9 : memref<128x128xf32, #tpu.memory_space<vmem>>) dst(%dma_wait3A_53 : memref<10240x128xf32, #tpu.memory_space<vmem_shared>>)
        tpu.yield
      }) : () -> ()
    }
    %scan3A_25 = arith.constant 79 : i32
    %barrier3A_26 = arith.constant 0 : index
    tpu.barrier barrier_id(%barrier3A_26)
    %mul3A_27 = arith.constant 640 : i32
    %mul3A_28 = arith.muli %arg1, %mul3A_27 : i32
    %mul3A_29 = arith.constant 640 : i32
    %mul3A_30 = arith.muli %arg1, %mul3A_29 : i32
    "tpu.region"() ({
      %run_scoped3A = tpu.sem_alloc : memref<!tpu.dma_semaphore, #tpu.memory_space<semaphore_mem>>
      %dma_start3A = arith.constant 0 : i32
      %dma_start3A_31 = tpu.memref_slice %arg6[%arg0, %mul3A_30, %dma_start3A] : memref<2x10240x128xf32, #tpu.memory_space<hbm>> -> memref<1x640x128xf32, #tpu.memory_space<hbm>>
      %dma_start3A_32 = tpu.memref_squeeze %dma_start3A_31 : memref<1x640x128xf32, #tpu.memory_space<hbm>> -> memref<640x128xf32, #tpu.memory_space<hbm>>
      %dma_start3A_33 = arith.constant 0 : i32
      %dma_start3A_34 = tpu.memref_slice %arg10[%mul3A_28, %dma_start3A_33] : memref<10240x128xf32, #tpu.memory_space<vmem_shared>> -> memref<640x128xf32, #tpu.memory_space<vmem_shared>>
      tpu.enqueue_dma source(%dma_start3A_34 : memref<640x128xf32, #tpu.memory_space<vmem_shared>>) target(%dma_start3A_32 : memref<640x128xf32, #tpu.memory_space<hbm>>) target_semaphore(%run_scoped3A : memref<!tpu.dma_semaphore, #tpu.memory_space<semaphore_mem>>)
      %dma_wait3A = arith.constant 0 : i32
      %dma_wait3A_35 = tpu.memref_slice %arg6[%arg0, %mul3A_30, %dma_wait3A] : memref<2x10240x128xf32, #tpu.memory_space<hbm>> -> memref<1x640x128xf32, #tpu.memory_space<hbm>>
      %dma_wait3A_36 = tpu.memref_squeeze %dma_wait3A_35 : memref<1x640x128xf32, #tpu.memory_space<hbm>> -> memref<640x128xf32, #tpu.memory_space<hbm>>
      %dma_wait3A_37 = arith.constant 0 : i32
      %dma_wait3A_38 = tpu.memref_slice %arg10[%mul3A_28, %dma_wait3A_37] : memref<10240x128xf32, #tpu.memory_space<vmem_shared>> -> memref<640x128xf32, #tpu.memory_space<vmem_shared>>
      tpu.wait_dma2 semaphore(%run_scoped3A : memref<!tpu.dma_semaphore, #tpu.memory_space<semaphore_mem>>) src(%dma_wait3A_38 : memref<640x128xf32, #tpu.memory_space<vmem_shared>>) dst(%dma_wait3A_36 : memref<640x128xf32, #tpu.memory_space<hbm>>)
      tpu.yield
    }) : () -> ()
    return
  }
}

#map = affine_map<(d0, d1) -> (0, 0, 0)>
#map1 = affine_map<(d0, d1) -> (0)>
#map2 = affine_map<(d0, d1) -> (0, 0)>
module attributes {stable_mosaic.version = 14 : i64} {
  func.func @k(%arg0: i32, %arg1: i32, %arg2: memref<32x79x128xi32, #tpu.memory_space<hbm>>, %arg3: memref<10240xf32, #tpu.memory_space<hbm>>, %arg4: memref<32x10240xf32, #tpu.memory_space<hbm>>, %arg5: memref<79x128xi32, #tpu.memory_space<vmem>>, %arg6: memref<10240xf32, #tpu.memory_space<vmem>>) attributes {dimension_semantics = [#tpu.dimension_semantics<core_parallel>, #tpu.dimension_semantics<subcore_parallel>], iteration_bounds = array<i64: 2, 16>, scalar_prefetch = 0 : i64, scratch_operands = 2 : i64, tpu.core_type = #tpu.core_type<sc_vector_subcore>, window_params = [{transform_indices = #map}, {transform_indices = #map1}, {transform_indices = #map2}]} {
    %mul3A = arith.constant 2 : i32
    %mul3A_0 = arith.muli %arg1, %mul3A : i32
    %add3A = arith.addi %mul3A_0, %arg0 : i32
    "tpu.region"() ({
      %run_scoped3A = tpu.sem_alloc : memref<!tpu.dma_semaphore, #tpu.memory_space<semaphore_mem>>
      %dma_start3A = arith.constant 0 : i32
      %dma_start3A_7 = arith.constant 0 : i32
      %dma_start3A_8 = tpu.memref_slice %arg2[%add3A, %dma_start3A, %dma_start3A_7] : memref<32x79x128xi32, #tpu.memory_space<hbm>> -> memref<1x79x128xi32, #tpu.memory_space<hbm>>
      %dma_start3A_9 = tpu.memref_squeeze %dma_start3A_8 : memref<1x79x128xi32, #tpu.memory_space<hbm>> -> memref<79x128xi32, #tpu.memory_space<hbm>>
      %dma_start3A_10 = arith.constant 0 : i32
      %dma_start3A_11 = arith.constant 0 : i32
      %dma_start3A_12 = tpu.memref_slice %arg2[%add3A, %dma_start3A_10, %dma_start3A_11] : memref<32x79x128xi32, #tpu.memory_space<hbm>> -> memref<1x79x128xi32, #tpu.memory_space<hbm>>
      %dma_start3A_13 = tpu.memref_squeeze %dma_start3A_12 : memref<1x79x128xi32, #tpu.memory_space<hbm>> -> memref<79x128xi32, #tpu.memory_space<hbm>>
      tpu.enqueue_dma source(%dma_start3A_13 : memref<79x128xi32, #tpu.memory_space<hbm>>) target(%arg5 : memref<79x128xi32, #tpu.memory_space<vmem>>) target_semaphore(%run_scoped3A : memref<!tpu.dma_semaphore, #tpu.memory_space<semaphore_mem>>)
      %dma_wait3A = arith.constant 0 : i32
      %dma_wait3A_14 = arith.constant 0 : i32
      %dma_wait3A_15 = tpu.memref_slice %arg2[%add3A, %dma_wait3A, %dma_wait3A_14] : memref<32x79x128xi32, #tpu.memory_space<hbm>> -> memref<1x79x128xi32, #tpu.memory_space<hbm>>
      %dma_wait3A_16 = tpu.memref_squeeze %dma_wait3A_15 : memref<1x79x128xi32, #tpu.memory_space<hbm>> -> memref<79x128xi32, #tpu.memory_space<hbm>>
      %dma_wait3A_17 = arith.constant 0 : i32
      %dma_wait3A_18 = arith.constant 0 : i32
      %dma_wait3A_19 = tpu.memref_slice %arg2[%add3A, %dma_wait3A_17, %dma_wait3A_18] : memref<32x79x128xi32, #tpu.memory_space<hbm>> -> memref<1x79x128xi32, #tpu.memory_space<hbm>>
      %dma_wait3A_20 = tpu.memref_squeeze %dma_wait3A_19 : memref<1x79x128xi32, #tpu.memory_space<hbm>> -> memref<79x128xi32, #tpu.memory_space<hbm>>
      tpu.wait_dma2 semaphore(%run_scoped3A : memref<!tpu.dma_semaphore, #tpu.memory_space<semaphore_mem>>) src(%dma_wait3A_20 : memref<79x128xi32, #tpu.memory_space<hbm>>) dst(%arg5 : memref<79x128xi32, #tpu.memory_space<vmem>>)
      tpu.yield
    }) : () -> ()
    "tpu.region"() ({
      %run_scoped3A = tpu.sem_alloc : memref<!tpu.dma_semaphore, #tpu.memory_space<semaphore_mem>>
      tpu.enqueue_dma source(%arg3 : memref<10240xf32, #tpu.memory_space<hbm>>) target(%arg6 : memref<10240xf32, #tpu.memory_space<vmem>>) target_semaphore(%run_scoped3A : memref<!tpu.dma_semaphore, #tpu.memory_space<semaphore_mem>>)
      tpu.wait_dma2 semaphore(%run_scoped3A : memref<!tpu.dma_semaphore, #tpu.memory_space<semaphore_mem>>) src(%arg3 : memref<10240xf32, #tpu.memory_space<hbm>>) dst(%arg6 : memref<10240xf32, #tpu.memory_space<vmem>>)
      tpu.yield
    }) : () -> ()
    %broadcast_in_dim3A = arith.constant 1.000000e+00 : f32
    %broadcast_in_dim3A_1 = vector.broadcast %broadcast_in_dim3A : f32 to vector<16xf32>
    %scan3A = arith.constant 0 : i32
    %scan3A_2 = arith.constant 0 : i32
    %scan3A_3 = arith.constant 79 : i32
    %scan3A_4 = arith.addi %scan3A_2, %scan3A_3 : i32
    %scan3A_5 = arith.constant 1 : i32
    scf.for %scan3A_7 = %scan3A_2 to %scan3A_4 step %scan3A_5  : i32 {
      %get3A = arith.index_cast %scan3A_7 : i32 to index
      %get3A_8 = arith.constant 0 : index
      %get3A_9 = tpu.vector_load %arg5[%get3A, %get3A_8] {strides = array<i32>} : memref<79x128xi32, #tpu.memory_space<vmem>>, vector<16xi32>,
      tpu.vector_store_idx %arg6[%get3A_9], %broadcast_in_dim3A_1 {add = true} : memref<10240xf32, #tpu.memory_space<vmem>>[vector<16xi32>], vector<16xf32>,
      %get3A_10 = arith.index_cast %scan3A_7 : i32 to index
      %get3A_11 = arith.constant 16 : index
      %get3A_12 = tpu.vector_load %arg5[%get3A_10, %get3A_11] {strides = array<i32>} : memref<79x128xi32, #tpu.memory_space<vmem>>, vector<16xi32>,
      tpu.vector_store_idx %arg6[%get3A_12], %broadcast_in_dim3A_1 {add = true} : memref<10240xf32, #tpu.memory_space<vmem>>[vector<16xi32>], vector<16xf32>,
      %get3A_13 = arith.index_cast %scan3A_7 : i32 to index
      %get3A_14 = arith.constant 32 : index
      %get3A_15 = tpu.vector_load %arg5[%get3A_13, %get3A_14] {strides = array<i32>} : memref<79x128xi32, #tpu.memory_space<vmem>>, vector<16xi32>,
      tpu.vector_store_idx %arg6[%get3A_15], %broadcast_in_dim3A_1 {add = true} : memref<10240xf32, #tpu.memory_space<vmem>>[vector<16xi32>], vector<16xf32>,
      %get3A_16 = arith.index_cast %scan3A_7 : i32 to index
      %get3A_17 = arith.constant 48 : index
      %get3A_18 = tpu.vector_load %arg5[%get3A_16, %get3A_17] {strides = array<i32>} : memref<79x128xi32, #tpu.memory_space<vmem>>, vector<16xi32>,
      tpu.vector_store_idx %arg6[%get3A_18], %broadcast_in_dim3A_1 {add = true} : memref<10240xf32, #tpu.memory_space<vmem>>[vector<16xi32>], vector<16xf32>,
      %get3A_19 = arith.index_cast %scan3A_7 : i32 to index
      %get3A_20 = arith.constant 64 : index
      %get3A_21 = tpu.vector_load %arg5[%get3A_19, %get3A_20] {strides = array<i32>} : memref<79x128xi32, #tpu.memory_space<vmem>>, vector<16xi32>,
      tpu.vector_store_idx %arg6[%get3A_21], %broadcast_in_dim3A_1 {add = true} : memref<10240xf32, #tpu.memory_space<vmem>>[vector<16xi32>], vector<16xf32>,
      %get3A_22 = arith.index_cast %scan3A_7 : i32 to index
      %get3A_23 = arith.constant 80 : index
      %get3A_24 = tpu.vector_load %arg5[%get3A_22, %get3A_23] {strides = array<i32>} : memref<79x128xi32, #tpu.memory_space<vmem>>, vector<16xi32>,
      tpu.vector_store_idx %arg6[%get3A_24], %broadcast_in_dim3A_1 {add = true} : memref<10240xf32, #tpu.memory_space<vmem>>[vector<16xi32>], vector<16xf32>,
      %get3A_25 = arith.index_cast %scan3A_7 : i32 to index
      %get3A_26 = arith.constant 96 : index
      %get3A_27 = tpu.vector_load %arg5[%get3A_25, %get3A_26] {strides = array<i32>} : memref<79x128xi32, #tpu.memory_space<vmem>>, vector<16xi32>,
      tpu.vector_store_idx %arg6[%get3A_27], %broadcast_in_dim3A_1 {add = true} : memref<10240xf32, #tpu.memory_space<vmem>>[vector<16xi32>], vector<16xf32>,
      %get3A_28 = arith.index_cast %scan3A_7 : i32 to index
      %get3A_29 = arith.constant 112 : index
      %get3A_30 = tpu.vector_load %arg5[%get3A_28, %get3A_29] {strides = array<i32>} : memref<79x128xi32, #tpu.memory_space<vmem>>, vector<16xi32>,
      tpu.vector_store_idx %arg6[%get3A_30], %broadcast_in_dim3A_1 {add = true} : memref<10240xf32, #tpu.memory_space<vmem>>[vector<16xi32>], vector<16xf32>,
    }
    %scan3A_6 = arith.constant 79 : i32
    "tpu.region"() ({
      %run_scoped3A = tpu.sem_alloc : memref<!tpu.dma_semaphore, #tpu.memory_space<semaphore_mem>>
      %dma_start3A = arith.constant 0 : i32
      %dma_start3A_7 = tpu.memref_slice %arg4[%add3A, %dma_start3A] : memref<32x10240xf32, #tpu.memory_space<hbm>> -> memref<1x10240xf32, #tpu.memory_space<hbm>>
      %dma_start3A_8 = tpu.memref_squeeze %dma_start3A_7 : memref<1x10240xf32, #tpu.memory_space<hbm>> -> memref<10240xf32, #tpu.memory_space<hbm>>
      %dma_start3A_9 = arith.constant 0 : i32
      %dma_start3A_10 = tpu.memref_slice %arg4[%add3A, %dma_start3A_9] : memref<32x10240xf32, #tpu.memory_space<hbm>> -> memref<1x10240xf32, #tpu.memory_space<hbm>>
      %dma_start3A_11 = tpu.memref_squeeze %dma_start3A_10 : memref<1x10240xf32, #tpu.memory_space<hbm>> -> memref<10240xf32, #tpu.memory_space<hbm>>
      tpu.enqueue_dma source(%arg6 : memref<10240xf32, #tpu.memory_space<vmem>>) target(%dma_start3A_11 : memref<10240xf32, #tpu.memory_space<hbm>>) target_semaphore(%run_scoped3A : memref<!tpu.dma_semaphore, #tpu.memory_space<semaphore_mem>>)
      %dma_wait3A = arith.constant 0 : i32
      %dma_wait3A_12 = tpu.memref_slice %arg4[%add3A, %dma_wait3A] : memref<32x10240xf32, #tpu.memory_space<hbm>> -> memref<1x10240xf32, #tpu.memory_space<hbm>>
      %dma_wait3A_13 = tpu.memref_squeeze %dma_wait3A_12 : memref<1x10240xf32, #tpu.memory_space<hbm>> -> memref<10240xf32, #tpu.memory_space<hbm>>
      %dma_wait3A_14 = arith.constant 0 : i32
      %dma_wait3A_15 = tpu.memref_slice %arg4[%add3A, %dma_wait3A_14] : memref<32x10240xf32, #tpu.memory_space<hbm>> -> memref<1x10240xf32, #tpu.memory_space<hbm>>
      %dma_wait3A_16 = tpu.memref_squeeze %dma_wait3A_15 : memref<1x10240xf32, #tpu.memory_space<hbm>> -> memref<10240xf32, #tpu.memory_space<hbm>>
      tpu.wait_dma2 semaphore(%run_scoped3A : memref<!tpu.dma_semaphore, #tpu.memory_space<semaphore_mem>>) src(%arg6 : memref<10240xf32, #tpu.memory_space<vmem>>) dst(%dma_wait3A_16 : memref<10240xf32, #tpu.memory_space<hbm>>)
      tpu.yield
    }) : () -> ()
    return
  }
}

#map = affine_map<(d0, d1) -> (0, 0)>
#map1 = affine_map<(d0, d1) -> (0, 0, 0)>
module attributes {stable_mosaic.version = 14 : i64} {
  func.func @k(%arg0: i32, %arg1: i32, %arg2: memref<10240x128xf32, #tpu.memory_space<hbm>>, %arg3: memref<32x79x128xi32, #tpu.memory_space<hbm>>, %arg4: memref<32x79x128xi32, #tpu.memory_space<hbm>>, %arg5: memref<128x128xf32, #tpu.memory_space<hbm>>, %arg6: memref<2x10240x128xf32, #tpu.memory_space<hbm>>, %arg7: memref<79x128xi32, #tpu.memory_space<vmem>>, %arg8: memref<79x128xi32, #tpu.memory_space<vmem>>, %arg9: memref<128x128xf32, #tpu.memory_space<vmem>>, %arg10: memref<10240x128xf32, #tpu.memory_space<vmem_shared>>, %arg11: memref<!tpu.dma_semaphore, #tpu.memory_space<semaphore_mem>>) attributes {dimension_semantics = [#tpu.dimension_semantics<core_parallel>, #tpu.dimension_semantics<subcore_parallel>], iteration_bounds = array<i64: 2, 16>, scalar_prefetch = 0 : i64, scratch_operands = 5 : i64, tpu.core_type = #tpu.core_type<sc_vector_subcore>, window_params = [{transform_indices = #map}, {transform_indices = #map1}, {transform_indices = #map1}, {transform_indices = #map}, {transform_indices = #map1}]} {
    %mul3A = arith.constant 2 : i32
    %mul3A_0 = arith.muli %arg1, %mul3A : i32
    %add3A = arith.addi %mul3A_0, %arg0 : i32
    "tpu.region"() ({
      %run_scoped3A = tpu.sem_alloc : memref<!tpu.dma_semaphore, #tpu.memory_space<semaphore_mem>>
      %dma_start3A = arith.constant 0 : i32
      %dma_start3A_31 = arith.constant 0 : i32
      %dma_start3A_32 = tpu.memref_slice %arg3[%add3A, %dma_start3A, %dma_start3A_31] : memref<32x79x128xi32, #tpu.memory_space<hbm>> -> memref<1x79x128xi32, #tpu.memory_space<hbm>>
      %dma_start3A_33 = tpu.memref_squeeze %dma_start3A_32 : memref<1x79x128xi32, #tpu.memory_space<hbm>> -> memref<79x128xi32, #tpu.memory_space<hbm>>
      %dma_start3A_34 = arith.constant 0 : i32
      %dma_start3A_35 = arith.constant 0 : i32
      %dma_start3A_36 = tpu.memref_slice %arg3[%add3A, %dma_start3A_34, %dma_start3A_35] : memref<32x79x128xi32, #tpu.memory_space<hbm>> -> memref<1x79x128xi32, #tpu.memory_space<hbm>>
      %dma_start3A_37 = tpu.memref_squeeze %dma_start3A_36 : memref<1x79x128xi32, #tpu.memory_space<hbm>> -> memref<79x128xi32, #tpu.memory_space<hbm>>
      tpu.enqueue_dma source(%dma_start3A_37 : memref<79x128xi32, #tpu.memory_space<hbm>>) target(%arg7 : memref<79x128xi32, #tpu.memory_space<vmem>>) target_semaphore(%run_scoped3A : memref<!tpu.dma_semaphore, #tpu.memory_space<semaphore_mem>>)
      %dma_wait3A = arith.constant 0 : i32
      %dma_wait3A_38 = arith.constant 0 : i32
      %dma_wait3A_39 = tpu.memref_slice %arg3[%add3A, %dma_wait3A, %dma_wait3A_38] : memref<32x79x128xi32, #tpu.memory_space<hbm>> -> memref<1x79x128xi32, #tpu.memory_space<hbm>>
      %dma_wait3A_40 = tpu.memref_squeeze %dma_wait3A_39 : memref<1x79x128xi32, #tpu.memory_space<hbm>> -> memref<79x128xi32, #tpu.memory_space<hbm>>
      %dma_wait3A_41 = arith.constant 0 : i32
      %dma_wait3A_42 = arith.constant 0 : i32
      %dma_wait3A_43 = tpu.memref_slice %arg3[%add3A, %dma_wait3A_41, %dma_wait3A_42] : memref<32x79x128xi32, #tpu.memory_space<hbm>> -> memref<1x79x128xi32, #tpu.memory_space<hbm>>
      %dma_wait3A_44 = tpu.memref_squeeze %dma_wait3A_43 : memref<1x79x128xi32, #tpu.memory_space<hbm>> -> memref<79x128xi32, #tpu.memory_space<hbm>>
      tpu.wait_dma2 semaphore(%run_scoped3A : memref<!tpu.dma_semaphore, #tpu.memory_space<semaphore_mem>>) src(%dma_wait3A_44 : memref<79x128xi32, #tpu.memory_space<hbm>>) dst(%arg7 : memref<79x128xi32, #tpu.memory_space<vmem>>)
      tpu.yield
    }) : () -> ()
    "tpu.region"() ({
      %run_scoped3A = tpu.sem_alloc : memref<!tpu.dma_semaphore, #tpu.memory_space<semaphore_mem>>
      %dma_start3A = arith.constant 0 : i32
      %dma_start3A_31 = arith.constant 0 : i32
      %dma_start3A_32 = tpu.memref_slice %arg4[%add3A, %dma_start3A, %dma_start3A_31] : memref<32x79x128xi32, #tpu.memory_space<hbm>> -> memref<1x79x128xi32, #tpu.memory_space<hbm>>
      %dma_start3A_33 = tpu.memref_squeeze %dma_start3A_32 : memref<1x79x128xi32, #tpu.memory_space<hbm>> -> memref<79x128xi32, #tpu.memory_space<hbm>>
      %dma_start3A_34 = arith.constant 0 : i32
      %dma_start3A_35 = arith.constant 0 : i32
      %dma_start3A_36 = tpu.memref_slice %arg4[%add3A, %dma_start3A_34, %dma_start3A_35] : memref<32x79x128xi32, #tpu.memory_space<hbm>> -> memref<1x79x128xi32, #tpu.memory_space<hbm>>
      %dma_start3A_37 = tpu.memref_squeeze %dma_start3A_36 : memref<1x79x128xi32, #tpu.memory_space<hbm>> -> memref<79x128xi32, #tpu.memory_space<hbm>>
      tpu.enqueue_dma source(%dma_start3A_37 : memref<79x128xi32, #tpu.memory_space<hbm>>) target(%arg8 : memref<79x128xi32, #tpu.memory_space<vmem>>) target_semaphore(%run_scoped3A : memref<!tpu.dma_semaphore, #tpu.memory_space<semaphore_mem>>)
      %dma_wait3A = arith.constant 0 : i32
      %dma_wait3A_38 = arith.constant 0 : i32
      %dma_wait3A_39 = tpu.memref_slice %arg4[%add3A, %dma_wait3A, %dma_wait3A_38] : memref<32x79x128xi32, #tpu.memory_space<hbm>> -> memref<1x79x128xi32, #tpu.memory_space<hbm>>
      %dma_wait3A_40 = tpu.memref_squeeze %dma_wait3A_39 : memref<1x79x128xi32, #tpu.memory_space<hbm>> -> memref<79x128xi32, #tpu.memory_space<hbm>>
      %dma_wait3A_41 = arith.constant 0 : i32
      %dma_wait3A_42 = arith.constant 0 : i32
      %dma_wait3A_43 = tpu.memref_slice %arg4[%add3A, %dma_wait3A_41, %dma_wait3A_42] : memref<32x79x128xi32, #tpu.memory_space<hbm>> -> memref<1x79x128xi32, #tpu.memory_space<hbm>>
      %dma_wait3A_44 = tpu.memref_squeeze %dma_wait3A_43 : memref<1x79x128xi32, #tpu.memory_space<hbm>> -> memref<79x128xi32, #tpu.memory_space<hbm>>
      tpu.wait_dma2 semaphore(%run_scoped3A : memref<!tpu.dma_semaphore, #tpu.memory_space<semaphore_mem>>) src(%dma_wait3A_44 : memref<79x128xi32, #tpu.memory_space<hbm>>) dst(%arg8 : memref<79x128xi32, #tpu.memory_space<vmem>>)
      tpu.yield
    }) : () -> ()
    "tpu.region"() ({
      %run_scoped3A = tpu.sem_alloc : memref<!tpu.dma_semaphore, #tpu.memory_space<semaphore_mem>>
      tpu.enqueue_dma source(%arg5 : memref<128x128xf32, #tpu.memory_space<hbm>>) target(%arg9 : memref<128x128xf32, #tpu.memory_space<vmem>>) target_semaphore(%run_scoped3A : memref<!tpu.dma_semaphore, #tpu.memory_space<semaphore_mem>>)
      tpu.wait_dma2 semaphore(%run_scoped3A : memref<!tpu.dma_semaphore, #tpu.memory_space<semaphore_mem>>) src(%arg5 : memref<128x128xf32, #tpu.memory_space<hbm>>) dst(%arg9 : memref<128x128xf32, #tpu.memory_space<vmem>>)
      tpu.yield
    }) : () -> ()
    %mul3A_1 = arith.constant 640 : i32
    %mul3A_2 = arith.muli %arg1, %mul3A_1 : i32
    %add3A_3 = arith.constant 0 : i32
    %add3A_4 = arith.addi %mul3A_2, %add3A_3 : i32
    "tpu.region"() ({
      %run_scoped3A = tpu.sem_alloc : memref<!tpu.dma_semaphore, #tpu.memory_space<semaphore_mem>>
      %dma_start3A = arith.constant 0 : i32
      %dma_start3A_31 = tpu.memref_slice %arg10[%add3A_4, %dma_start3A] : memref<10240x128xf32, #tpu.memory_space<vmem_shared>> -> memref<128x128xf32, #tpu.memory_space<vmem_shared>>
      %dma_start3A_32 = arith.constant 0 : i32
      %dma_start3A_33 = tpu.memref_slice %arg10[%add3A_4, %dma_start3A_32] : memref<10240x128xf32, #tpu.memory_space<vmem_shared>> -> memref<128x128xf32, #tpu.memory_space<vmem_shared>>
      tpu.enqueue_dma source(%arg9 : memref<128x128xf32, #tpu.memory_space<vmem>>) target(%dma_start3A_33 : memref<128x128xf32, #tpu.memory_space<vmem_shared>>) target_semaphore(%run_scoped3A : memref<!tpu.dma_semaphore, #tpu.memory_space<semaphore_mem>>)
      %dma_wait3A = arith.constant 0 : i32
      %dma_wait3A_34 = tpu.memref_slice %arg10[%add3A_4, %dma_wait3A] : memref<10240x128xf32, #tpu.memory_space<vmem_shared>> -> memref<128x128xf32, #tpu.memory_space<vmem_shared>>
      %dma_wait3A_35 = arith.constant 0 : i32
      %dma_wait3A_36 = tpu.memref_slice %arg10[%add3A_4, %dma_wait3A_35] : memref<10240x128xf32, #tpu.memory_space<vmem_shared>> -> memref<128x128xf32, #tpu.memory_space<vmem_shared>>
      tpu.wait_dma2 semaphore(%run_scoped3A : memref<!tpu.dma_semaphore, #tpu.memory_space<semaphore_mem>>) src(%arg9 : memref<128x128xf32, #tpu.memory_space<vmem>>) dst(%dma_wait3A_36 : memref<128x128xf32, #tpu.memory_space<vmem_shared>>)
      tpu.yield
    }) : () -> ()
    %mul3A_5 = arith.constant 640 : i32
    %mul3A_6 = arith.muli %arg1, %mul3A_5 : i32
    %add3A_7 = arith.constant 128 : i32
    %add3A_8 = arith.addi %mul3A_6, %add3A_7 : i32
    "tpu.region"() ({
      %run_scoped3A = tpu.sem_alloc : memref<!tpu.dma_semaphore, #tpu.memory_space<semaphore_mem>>
      %dma_start3A = arith.constant 0 : i32
      %dma_start3A_31 = tpu.memref_slice %arg10[%add3A_8, %dma_start3A] : memref<10240x128xf32, #tpu.memory_space<vmem_shared>> -> memref<128x128xf32, #tpu.memory_space<vmem_shared>>
      %dma_start3A_32 = arith.constant 0 : i32
      %dma_start3A_33 = tpu.memref_slice %arg10[%add3A_8, %dma_start3A_32] : memref<10240x128xf32, #tpu.memory_space<vmem_shared>> -> memref<128x128xf32, #tpu.memory_space<vmem_shared>>
      tpu.enqueue_dma source(%arg9 : memref<128x128xf32, #tpu.memory_space<vmem>>) target(%dma_start3A_33 : memref<128x128xf32, #tpu.memory_space<vmem_shared>>) target_semaphore(%run_scoped3A : memref<!tpu.dma_semaphore, #tpu.memory_space<semaphore_mem>>)
      %dma_wait3A = arith.constant 0 : i32
      %dma_wait3A_34 = tpu.memref_slice %arg10[%add3A_8, %dma_wait3A] : memref<10240x128xf32, #tpu.memory_space<vmem_shared>> -> memref<128x128xf32, #tpu.memory_space<vmem_shared>>
      %dma_wait3A_35 = arith.constant 0 : i32
      %dma_wait3A_36 = tpu.memref_slice %arg10[%add3A_8, %dma_wait3A_35] : memref<10240x128xf32, #tpu.memory_space<vmem_shared>> -> memref<128x128xf32, #tpu.memory_space<vmem_shared>>
      tpu.wait_dma2 semaphore(%run_scoped3A : memref<!tpu.dma_semaphore, #tpu.memory_space<semaphore_mem>>) src(%arg9 : memref<128x128xf32, #tpu.memory_space<vmem>>) dst(%dma_wait3A_36 : memref<128x128xf32, #tpu.memory_space<vmem_shared>>)
      tpu.yield
    }) : () -> ()
    %mul3A_9 = arith.constant 640 : i32
    %mul3A_10 = arith.muli %arg1, %mul3A_9 : i32
    %add3A_11 = arith.constant 256 : i32
    %add3A_12 = arith.addi %mul3A_10, %add3A_11 : i32
    "tpu.region"() ({
      %run_scoped3A = tpu.sem_alloc : memref<!tpu.dma_semaphore, #tpu.memory_space<semaphore_mem>>
      %dma_start3A = arith.constant 0 : i32
      %dma_start3A_31 = tpu.memref_slice %arg10[%add3A_12, %dma_start3A] : memref<10240x128xf32, #tpu.memory_space<vmem_shared>> -> memref<128x128xf32, #tpu.memory_space<vmem_shared>>
      %dma_start3A_32 = arith.constant 0 : i32
      %dma_start3A_33 = tpu.memref_slice %arg10[%add3A_12, %dma_start3A_32] : memref<10240x128xf32, #tpu.memory_space<vmem_shared>> -> memref<128x128xf32, #tpu.memory_space<vmem_shared>>
      tpu.enqueue_dma source(%arg9 : memref<128x128xf32, #tpu.memory_space<vmem>>) target(%dma_start3A_33 : memref<128x128xf32, #tpu.memory_space<vmem_shared>>) target_semaphore(%run_scoped3A : memref<!tpu.dma_semaphore, #tpu.memory_space<semaphore_mem>>)
      %dma_wait3A = arith.constant 0 : i32
      %dma_wait3A_34 = tpu.memref_slice %arg10[%add3A_12, %dma_wait3A] : memref<10240x128xf32, #tpu.memory_space<vmem_shared>> -> memref<128x128xf32, #tpu.memory_space<vmem_shared>>
      %dma_wait3A_35 = arith.constant 0 : i32
      %dma_wait3A_36 = tpu.memref_slice %arg10[%add3A_12, %dma_wait3A_35] : memref<10240x128xf32, #tpu.memory_space<vmem_shared>> -> memref<128x128xf32, #tpu.memory_space<vmem_shared>>
      tpu.wait_dma2 semaphore(%run_scoped3A : memref<!tpu.dma_semaphore, #tpu.memory_space<semaphore_mem>>) src(%arg9 : memref<128x128xf32, #tpu.memory_space<vmem>>) dst(%dma_wait3A_36 : memref<128x128xf32, #tpu.memory_space<vmem_shared>>)
      tpu.yield
    }) : () -> ()
    %mul3A_13 = arith.constant 640 : i32
    %mul3A_14 = arith.muli %arg1, %mul3A_13 : i32
    %add3A_15 = arith.constant 384 : i32
    %add3A_16 = arith.addi %mul3A_14, %add3A_15 : i32
    "tpu.region"() ({
      %run_scoped3A = tpu.sem_alloc : memref<!tpu.dma_semaphore, #tpu.memory_space<semaphore_mem>>
      %dma_start3A = arith.constant 0 : i32
      %dma_start3A_31 = tpu.memref_slice %arg10[%add3A_16, %dma_start3A] : memref<10240x128xf32, #tpu.memory_space<vmem_shared>> -> memref<128x128xf32, #tpu.memory_space<vmem_shared>>
      %dma_start3A_32 = arith.constant 0 : i32
      %dma_start3A_33 = tpu.memref_slice %arg10[%add3A_16, %dma_start3A_32] : memref<10240x128xf32, #tpu.memory_space<vmem_shared>> -> memref<128x128xf32, #tpu.memory_space<vmem_shared>>
      tpu.enqueue_dma source(%arg9 : memref<128x128xf32, #tpu.memory_space<vmem>>) target(%dma_start3A_33 : memref<128x128xf32, #tpu.memory_space<vmem_shared>>) target_semaphore(%run_scoped3A : memref<!tpu.dma_semaphore, #tpu.memory_space<semaphore_mem>>)
      %dma_wait3A = arith.constant 0 : i32
      %dma_wait3A_34 = tpu.memref_slice %arg10[%add3A_16, %dma_wait3A] : memref<10240x128xf32, #tpu.memory_space<vmem_shared>> -> memref<128x128xf32, #tpu.memory_space<vmem_shared>>
      %dma_wait3A_35 = arith.constant 0 : i32
      %dma_wait3A_36 = tpu.memref_slice %arg10[%add3A_16, %dma_wait3A_35] : memref<10240x128xf32, #tpu.memory_space<vmem_shared>> -> memref<128x128xf32, #tpu.memory_space<vmem_shared>>
      tpu.wait_dma2 semaphore(%run_scoped3A : memref<!tpu.dma_semaphore, #tpu.memory_space<semaphore_mem>>) src(%arg9 : memref<128x128xf32, #tpu.memory_space<vmem>>) dst(%dma_wait3A_36 : memref<128x128xf32, #tpu.memory_space<vmem_shared>>)
      tpu.yield
    }) : () -> ()
    %mul3A_17 = arith.constant 640 : i32
    %mul3A_18 = arith.muli %arg1, %mul3A_17 : i32
    %add3A_19 = arith.constant 512 : i32
    %add3A_20 = arith.addi %mul3A_18, %add3A_19 : i32
    "tpu.region"() ({
      %run_scoped3A = tpu.sem_alloc : memref<!tpu.dma_semaphore, #tpu.memory_space<semaphore_mem>>
      %dma_start3A = arith.constant 0 : i32
      %dma_start3A_31 = tpu.memref_slice %arg10[%add3A_20, %dma_start3A] : memref<10240x128xf32, #tpu.memory_space<vmem_shared>> -> memref<128x128xf32, #tpu.memory_space<vmem_shared>>
      %dma_start3A_32 = arith.constant 0 : i32
      %dma_start3A_33 = tpu.memref_slice %arg10[%add3A_20, %dma_start3A_32] : memref<10240x128xf32, #tpu.memory_space<vmem_shared>> -> memref<128x128xf32, #tpu.memory_space<vmem_shared>>
      tpu.enqueue_dma source(%arg9 : memref<128x128xf32, #tpu.memory_space<vmem>>) target(%dma_start3A_33 : memref<128x128xf32, #tpu.memory_space<vmem_shared>>) target_semaphore(%run_scoped3A : memref<!tpu.dma_semaphore, #tpu.memory_space<semaphore_mem>>)
      %dma_wait3A = arith.constant 0 : i32
      %dma_wait3A_34 = tpu.memref_slice %arg10[%add3A_20, %dma_wait3A] : memref<10240x128xf32, #tpu.memory_space<vmem_shared>> -> memref<128x128xf32, #tpu.memory_space<vmem_shared>>
      %dma_wait3A_35 = arith.constant 0 : i32
      %dma_wait3A_36 = tpu.memref_slice %arg10[%add3A_20, %dma_wait3A_35] : memref<10240x128xf32, #tpu.memory_space<vmem_shared>> -> memref<128x128xf32, #tpu.memory_space<vmem_shared>>
      tpu.wait_dma2 semaphore(%run_scoped3A : memref<!tpu.dma_semaphore, #tpu.memory_space<semaphore_mem>>) src(%arg9 : memref<128x128xf32, #tpu.memory_space<vmem>>) dst(%dma_wait3A_36 : memref<128x128xf32, #tpu.memory_space<vmem_shared>>)
      tpu.yield
    }) : () -> ()
    %barrier3A = arith.constant 0 : index
    tpu.barrier barrier_id(%barrier3A)
    %scan3A = arith.constant 0 : i32
    %scan3A_21 = arith.constant 0 : i32
    %scan3A_22 = arith.constant 79 : i32
    %scan3A_23 = arith.addi %scan3A_21, %scan3A_22 : i32
    %scan3A_24 = arith.constant 1 : i32
    scf.for %scan3A_31 = %scan3A_21 to %scan3A_23 step %scan3A_24  : i32 {
      %dma_start3A = arith.constant 0 : i32
      %dma_start3A_32 = tpu.memref_slice %arg7[%scan3A_31, %dma_start3A] : memref<79x128xi32, #tpu.memory_space<vmem>> -> memref<1x128xi32, #tpu.memory_space<vmem>>
      %dma_start3A_33 = tpu.memref_squeeze %dma_start3A_32 : memref<1x128xi32, #tpu.memory_space<vmem>> -> memref<128xi32, #tpu.memory_space<vmem>>
      %dma_start3A_34 = arith.constant 0 : i32
      %dma_start3A_35 = arith.constant 0 : i32
      %dma_start3A_36 = tpu.memref_slice %arg2[%dma_start3A_34, %dma_start3A_35] : memref<10240x128xf32, #tpu.memory_space<hbm>> -> memref<10240x128xf32, #tpu.memory_space<hbm>>
      tpu.enqueue_indirect_dma source(%dma_start3A_36 : memref<10240x128xf32, #tpu.memory_space<hbm>>) target(%arg9 : memref<128x128xf32, #tpu.memory_space<vmem>>) offsets(%dma_start3A_33 : memref<128xi32, #tpu.memory_space<vmem>>) semaphore(%arg11 : memref<!tpu.dma_semaphore, #tpu.memory_space<semaphore_mem>>)
      %dma_wait3A = arith.constant 0 : i32
      %dma_wait3A_37 = tpu.memref_slice %arg7[%scan3A_31, %dma_wait3A] : memref<79x128xi32, #tpu.memory_space<vmem>> -> memref<1x128xi32, #tpu.memory_space<vmem>>
      %dma_wait3A_38 = tpu.memref_squeeze %dma_wait3A_37 : memref<1x128xi32, #tpu.memory_space<vmem>> -> memref<128xi32, #tpu.memory_space<vmem>>
      %dma_wait3A_39 = arith.constant 0 : i32
      %dma_wait3A_40 = arith.constant 0 : i32
      %dma_wait3A_41 = tpu.memref_slice %arg2[%dma_wait3A_39, %dma_wait3A_40] : memref<10240x128xf32, #tpu.memory_space<hbm>> -> memref<10240x128xf32, #tpu.memory_space<hbm>>
      tpu.wait_indirect_dma semaphore(%arg11 : memref<!tpu.dma_semaphore, #tpu.memory_space<semaphore_mem>>) src(%dma_wait3A_41 : memref<10240x128xf32, #tpu.memory_space<hbm>>) dst(%arg9 : memref<128x128xf32, #tpu.memory_space<vmem>>)
      "tpu.region"() ({
        %run_scoped3A = tpu.sem_alloc : memref<!tpu.dma_semaphore, #tpu.memory_space<semaphore_mem>>
        %dma_start3A_42 = arith.constant 0 : i32
        %dma_start3A_43 = tpu.memref_slice %arg8[%scan3A_31, %dma_start3A_42] : memref<79x128xi32, #tpu.memory_space<vmem>> -> memref<1x128xi32, #tpu.memory_space<vmem>>
        %dma_start3A_44 = tpu.memref_squeeze %dma_start3A_43 : memref<1x128xi32, #tpu.memory_space<vmem>> -> memref<128xi32, #tpu.memory_space<vmem>>
        %dma_start3A_45 = arith.constant 0 : i32
        %dma_start3A_46 = arith.constant 0 : i32
        %dma_start3A_47 = tpu.memref_slice %arg10[%dma_start3A_45, %dma_start3A_46] : memref<10240x128xf32, #tpu.memory_space<vmem_shared>> -> memref<10240x128xf32, #tpu.memory_space<vmem_shared>>
        tpu.enqueue_indirect_dma source(%arg9 : memref<128x128xf32, #tpu.memory_space<vmem>>) target(%dma_start3A_47 : memref<10240x128xf32, #tpu.memory_space<vmem_shared>>) offsets(%dma_start3A_44 : memref<128xi32, #tpu.memory_space<vmem>>) semaphore(%run_scoped3A : memref<!tpu.dma_semaphore, #tpu.memory_space<semaphore_mem>>) {add = true}
        %dma_wait3A_48 = arith.constant 0 : i32
        %dma_wait3A_49 = tpu.memref_slice %arg8[%scan3A_31, %dma_wait3A_48] : memref<79x128xi32, #tpu.memory_space<vmem>> -> memref<1x128xi32, #tpu.memory_space<vmem>>
        %dma_wait3A_50 = tpu.memref_squeeze %dma_wait3A_49 : memref<1x128xi32, #tpu.memory_space<vmem>> -> memref<128xi32, #tpu.memory_space<vmem>>
        %dma_wait3A_51 = arith.constant 0 : i32
        %dma_wait3A_52 = arith.constant 0 : i32
        %dma_wait3A_53 = tpu.memref_slice %arg10[%dma_wait3A_51, %dma_wait3A_52] : memref<10240x128xf32, #tpu.memory_space<vmem_shared>> -> memref<10240x128xf32, #tpu.memory_space<vmem_shared>>
        tpu.wait_indirect_dma semaphore(%run_scoped3A : memref<!tpu.dma_semaphore, #tpu.memory_space<semaphore_mem>>) src(%arg9 : memref<128x128xf32, #tpu.memory_space<vmem>>) dst(%dma_wait3A_53 : memref<10240x128xf32, #tpu.memory_space<vmem_shared>>)
        tpu.yield
      }) : () -> ()
    }
    %scan3A_25 = arith.constant 79 : i32
    %barrier3A_26 = arith.constant 0 : index
    tpu.barrier barrier_id(%barrier3A_26)
    %mul3A_27 = arith.constant 640 : i32
    %mul3A_28 = arith.muli %arg1, %mul3A_27 : i32
    %mul3A_29 = arith.constant 640 : i32
    %mul3A_30 = arith.muli %arg1, %mul3A_29 : i32
    "tpu.region"() ({
      %run_scoped3A = tpu.sem_alloc : memref<!tpu.dma_semaphore, #tpu.memory_space<semaphore_mem>>
      %dma_start3A = arith.constant 0 : i32
      %dma_start3A_31 = tpu.memref_slice %arg6[%arg0, %mul3A_30, %dma_start3A] : memref<2x10240x128xf32, #tpu.memory_space<hbm>> -> memref<1x640x128xf32, #tpu.memory_space<hbm>>
      %dma_start3A_32 = tpu.memref_squeeze %dma_start3A_31 : memref<1x640x128xf32, #tpu.memory_space<hbm>> -> memref<640x128xf32, #tpu.memory_space<hbm>>
      %dma_start3A_33 = arith.constant 0 : i32
      %dma_start3A_34 = tpu.memref_slice %arg10[%mul3A_28, %dma_start3A_33] : memref<10240x128xf32, #tpu.memory_space<vmem_shared>> -> memref<640x128xf32, #tpu.memory_space<vmem_shared>>
      tpu.enqueue_dma source(%dma_start3A_34 : memref<640x128xf32, #tpu.memory_space<vmem_shared>>) target(%dma_start3A_32 : memref<640x128xf32, #tpu.memory_space<hbm>>) target_semaphore(%run_scoped3A : memref<!tpu.dma_semaphore, #tpu.memory_space<semaphore_mem>>)
      %dma_wait3A = arith.constant 0 : i32
      %dma_wait3A_35 = tpu.memref_slice %arg6[%arg0, %mul3A_30, %dma_wait3A] : memref<2x10240x128xf32, #tpu.memory_space<hbm>> -> memref<1x640x128xf32, #tpu.memory_space<hbm>>
      %dma_wait3A_36 = tpu.memref_squeeze %dma_wait3A_35 : memref<1x640x128xf32, #tpu.memory_space<hbm>> -> memref<640x128xf32, #tpu.memory_space<hbm>>
      %dma_wait3A_37 = arith.constant 0 : i32
      %dma_wait3A_38 = tpu.memref_slice %arg10[%mul3A_28, %dma_wait3A_37] : memref<10240x128xf32, #tpu.memory_space<vmem_shared>> -> memref<640x128xf32, #tpu.memory_space<vmem_shared>>
      tpu.wait_dma2 semaphore(%run_scoped3A : memref<!tpu.dma_semaphore, #tpu.memory_space<semaphore_mem>>) src(%dma_wait3A_38 : memref<640x128xf32, #tpu.memory_space<vmem_shared>>) dst(%dma_wait3A_36 : memref<640x128xf32, #tpu.memory_space<hbm>>)
      tpu.yield
    }) : () -> ()
    return
  }
}

#map = affine_map<(d0, d1) -> (0, 0)>
#map1 = affine_map<(d0, d1) -> (0, 0, 0)>
module attributes {stable_mosaic.version = 14 : i64} {
  func.func @k(%arg0: i32, %arg1: i32, %arg2: memref<10240x48xf32, #tpu.memory_space<hbm>>, %arg3: memref<32x79x128xi32, #tpu.memory_space<hbm>>, %arg4: memref<32x79x128xi32, #tpu.memory_space<hbm>>, %arg5: memref<128x48xf32, #tpu.memory_space<hbm>>, %arg6: memref<2x10240x48xf32, #tpu.memory_space<hbm>>, %arg7: memref<79x128xi32, #tpu.memory_space<vmem>>, %arg8: memref<79x128xi32, #tpu.memory_space<vmem>>, %arg9: memref<128x48xf32, #tpu.memory_space<vmem>>, %arg10: memref<10240x48xf32, #tpu.memory_space<vmem_shared>>, %arg11: memref<!tpu.dma_semaphore, #tpu.memory_space<semaphore_mem>>) attributes {dimension_semantics = [#tpu.dimension_semantics<core_parallel>, #tpu.dimension_semantics<subcore_parallel>], iteration_bounds = array<i64: 2, 16>, scalar_prefetch = 0 : i64, scratch_operands = 5 : i64, tpu.core_type = #tpu.core_type<sc_vector_subcore>, window_params = [{transform_indices = #map}, {transform_indices = #map1}, {transform_indices = #map1}, {transform_indices = #map}, {transform_indices = #map1}]} {
    %mul3A = arith.constant 2 : i32
    %mul3A_0 = arith.muli %arg1, %mul3A : i32
    %add3A = arith.addi %mul3A_0, %arg0 : i32
    "tpu.region"() ({
      %run_scoped3A = tpu.sem_alloc : memref<!tpu.dma_semaphore, #tpu.memory_space<semaphore_mem>>
      %dma_start3A = arith.constant 0 : i32
      %dma_start3A_31 = arith.constant 0 : i32
      %dma_start3A_32 = tpu.memref_slice %arg3[%add3A, %dma_start3A, %dma_start3A_31] : memref<32x79x128xi32, #tpu.memory_space<hbm>> -> memref<1x79x128xi32, #tpu.memory_space<hbm>>
      %dma_start3A_33 = tpu.memref_squeeze %dma_start3A_32 : memref<1x79x128xi32, #tpu.memory_space<hbm>> -> memref<79x128xi32, #tpu.memory_space<hbm>>
      %dma_start3A_34 = arith.constant 0 : i32
      %dma_start3A_35 = arith.constant 0 : i32
      %dma_start3A_36 = tpu.memref_slice %arg3[%add3A, %dma_start3A_34, %dma_start3A_35] : memref<32x79x128xi32, #tpu.memory_space<hbm>> -> memref<1x79x128xi32, #tpu.memory_space<hbm>>
      %dma_start3A_37 = tpu.memref_squeeze %dma_start3A_36 : memref<1x79x128xi32, #tpu.memory_space<hbm>> -> memref<79x128xi32, #tpu.memory_space<hbm>>
      tpu.enqueue_dma source(%dma_start3A_37 : memref<79x128xi32, #tpu.memory_space<hbm>>) target(%arg7 : memref<79x128xi32, #tpu.memory_space<vmem>>) target_semaphore(%run_scoped3A : memref<!tpu.dma_semaphore, #tpu.memory_space<semaphore_mem>>)
      %dma_wait3A = arith.constant 0 : i32
      %dma_wait3A_38 = arith.constant 0 : i32
      %dma_wait3A_39 = tpu.memref_slice %arg3[%add3A, %dma_wait3A, %dma_wait3A_38] : memref<32x79x128xi32, #tpu.memory_space<hbm>> -> memref<1x79x128xi32, #tpu.memory_space<hbm>>
      %dma_wait3A_40 = tpu.memref_squeeze %dma_wait3A_39 : memref<1x79x128xi32, #tpu.memory_space<hbm>> -> memref<79x128xi32, #tpu.memory_space<hbm>>
      %dma_wait3A_41 = arith.constant 0 : i32
      %dma_wait3A_42 = arith.constant 0 : i32
      %dma_wait3A_43 = tpu.memref_slice %arg3[%add3A, %dma_wait3A_41, %dma_wait3A_42] : memref<32x79x128xi32, #tpu.memory_space<hbm>> -> memref<1x79x128xi32, #tpu.memory_space<hbm>>
      %dma_wait3A_44 = tpu.memref_squeeze %dma_wait3A_43 : memref<1x79x128xi32, #tpu.memory_space<hbm>> -> memref<79x128xi32, #tpu.memory_space<hbm>>
      tpu.wait_dma2 semaphore(%run_scoped3A : memref<!tpu.dma_semaphore, #tpu.memory_space<semaphore_mem>>) src(%dma_wait3A_44 : memref<79x128xi32, #tpu.memory_space<hbm>>) dst(%arg7 : memref<79x128xi32, #tpu.memory_space<vmem>>)
      tpu.yield
    }) : () -> ()
    "tpu.region"() ({
      %run_scoped3A = tpu.sem_alloc : memref<!tpu.dma_semaphore, #tpu.memory_space<semaphore_mem>>
      %dma_start3A = arith.constant 0 : i32
      %dma_start3A_31 = arith.constant 0 : i32
      %dma_start3A_32 = tpu.memref_slice %arg4[%add3A, %dma_start3A, %dma_start3A_31] : memref<32x79x128xi32, #tpu.memory_space<hbm>> -> memref<1x79x128xi32, #tpu.memory_space<hbm>>
      %dma_start3A_33 = tpu.memref_squeeze %dma_start3A_32 : memref<1x79x128xi32, #tpu.memory_space<hbm>> -> memref<79x128xi32, #tpu.memory_space<hbm>>
      %dma_start3A_34 = arith.constant 0 : i32
      %dma_start3A_35 = arith.constant 0 : i32
      %dma_start3A_36 = tpu.memref_slice %arg4[%add3A, %dma_start3A_34, %dma_start3A_35] : memref<32x79x128xi32, #tpu.memory_space<hbm>> -> memref<1x79x128xi32, #tpu.memory_space<hbm>>
      %dma_start3A_37 = tpu.memref_squeeze %dma_start3A_36 : memref<1x79x128xi32, #tpu.memory_space<hbm>> -> memref<79x128xi32, #tpu.memory_space<hbm>>
      tpu.enqueue_dma source(%dma_start3A_37 : memref<79x128xi32, #tpu.memory_space<hbm>>) target(%arg8 : memref<79x128xi32, #tpu.memory_space<vmem>>) target_semaphore(%run_scoped3A : memref<!tpu.dma_semaphore, #tpu.memory_space<semaphore_mem>>)
      %dma_wait3A = arith.constant 0 : i32
      %dma_wait3A_38 = arith.constant 0 : i32
      %dma_wait3A_39 = tpu.memref_slice %arg4[%add3A, %dma_wait3A, %dma_wait3A_38] : memref<32x79x128xi32, #tpu.memory_space<hbm>> -> memref<1x79x128xi32, #tpu.memory_space<hbm>>
      %dma_wait3A_40 = tpu.memref_squeeze %dma_wait3A_39 : memref<1x79x128xi32, #tpu.memory_space<hbm>> -> memref<79x128xi32, #tpu.memory_space<hbm>>
      %dma_wait3A_41 = arith.constant 0 : i32
      %dma_wait3A_42 = arith.constant 0 : i32
      %dma_wait3A_43 = tpu.memref_slice %arg4[%add3A, %dma_wait3A_41, %dma_wait3A_42] : memref<32x79x128xi32, #tpu.memory_space<hbm>> -> memref<1x79x128xi32, #tpu.memory_space<hbm>>
      %dma_wait3A_44 = tpu.memref_squeeze %dma_wait3A_43 : memref<1x79x128xi32, #tpu.memory_space<hbm>> -> memref<79x128xi32, #tpu.memory_space<hbm>>
      tpu.wait_dma2 semaphore(%run_scoped3A : memref<!tpu.dma_semaphore, #tpu.memory_space<semaphore_mem>>) src(%dma_wait3A_44 : memref<79x128xi32, #tpu.memory_space<hbm>>) dst(%arg8 : memref<79x128xi32, #tpu.memory_space<vmem>>)
      tpu.yield
    }) : () -> ()
    "tpu.region"() ({
      %run_scoped3A = tpu.sem_alloc : memref<!tpu.dma_semaphore, #tpu.memory_space<semaphore_mem>>
      tpu.enqueue_dma source(%arg5 : memref<128x48xf32, #tpu.memory_space<hbm>>) target(%arg9 : memref<128x48xf32, #tpu.memory_space<vmem>>) target_semaphore(%run_scoped3A : memref<!tpu.dma_semaphore, #tpu.memory_space<semaphore_mem>>)
      tpu.wait_dma2 semaphore(%run_scoped3A : memref<!tpu.dma_semaphore, #tpu.memory_space<semaphore_mem>>) src(%arg5 : memref<128x48xf32, #tpu.memory_space<hbm>>) dst(%arg9 : memref<128x48xf32, #tpu.memory_space<vmem>>)
      tpu.yield
    }) : () -> ()
    %mul3A_1 = arith.constant 640 : i32
    %mul3A_2 = arith.muli %arg1, %mul3A_1 : i32
    %add3A_3 = arith.constant 0 : i32
    %add3A_4 = arith.addi %mul3A_2, %add3A_3 : i32
    "tpu.region"() ({
      %run_scoped3A = tpu.sem_alloc : memref<!tpu.dma_semaphore, #tpu.memory_space<semaphore_mem>>
      %dma_start3A = arith.constant 0 : i32
      %dma_start3A_31 = tpu.memref_slice %arg10[%add3A_4, %dma_start3A] : memref<10240x48xf32, #tpu.memory_space<vmem_shared>> -> memref<128x48xf32, #tpu.memory_space<vmem_shared>>
      %dma_start3A_32 = arith.constant 0 : i32
      %dma_start3A_33 = tpu.memref_slice %arg10[%add3A_4, %dma_start3A_32] : memref<10240x48xf32, #tpu.memory_space<vmem_shared>> -> memref<128x48xf32, #tpu.memory_space<vmem_shared>>
      tpu.enqueue_dma source(%arg9 : memref<128x48xf32, #tpu.memory_space<vmem>>) target(%dma_start3A_33 : memref<128x48xf32, #tpu.memory_space<vmem_shared>>) target_semaphore(%run_scoped3A : memref<!tpu.dma_semaphore, #tpu.memory_space<semaphore_mem>>)
      %dma_wait3A = arith.constant 0 : i32
      %dma_wait3A_34 = tpu.memref_slice %arg10[%add3A_4, %dma_wait3A] : memref<10240x48xf32, #tpu.memory_space<vmem_shared>> -> memref<128x48xf32, #tpu.memory_space<vmem_shared>>
      %dma_wait3A_35 = arith.constant 0 : i32
      %dma_wait3A_36 = tpu.memref_slice %arg10[%add3A_4, %dma_wait3A_35] : memref<10240x48xf32, #tpu.memory_space<vmem_shared>> -> memref<128x48xf32, #tpu.memory_space<vmem_shared>>
      tpu.wait_dma2 semaphore(%run_scoped3A : memref<!tpu.dma_semaphore, #tpu.memory_space<semaphore_mem>>) src(%arg9 : memref<128x48xf32, #tpu.memory_space<vmem>>) dst(%dma_wait3A_36 : memref<128x48xf32, #tpu.memory_space<vmem_shared>>)
      tpu.yield
    }) : () -> ()
    %mul3A_5 = arith.constant 640 : i32
    %mul3A_6 = arith.muli %arg1, %mul3A_5 : i32
    %add3A_7 = arith.constant 128 : i32
    %add3A_8 = arith.addi %mul3A_6, %add3A_7 : i32
    "tpu.region"() ({
      %run_scoped3A = tpu.sem_alloc : memref<!tpu.dma_semaphore, #tpu.memory_space<semaphore_mem>>
      %dma_start3A = arith.constant 0 : i32
      %dma_start3A_31 = tpu.memref_slice %arg10[%add3A_8, %dma_start3A] : memref<10240x48xf32, #tpu.memory_space<vmem_shared>> -> memref<128x48xf32, #tpu.memory_space<vmem_shared>>
      %dma_start3A_32 = arith.constant 0 : i32
      %dma_start3A_33 = tpu.memref_slice %arg10[%add3A_8, %dma_start3A_32] : memref<10240x48xf32, #tpu.memory_space<vmem_shared>> -> memref<128x48xf32, #tpu.memory_space<vmem_shared>>
      tpu.enqueue_dma source(%arg9 : memref<128x48xf32, #tpu.memory_space<vmem>>) target(%dma_start3A_33 : memref<128x48xf32, #tpu.memory_space<vmem_shared>>) target_semaphore(%run_scoped3A : memref<!tpu.dma_semaphore, #tpu.memory_space<semaphore_mem>>)
      %dma_wait3A = arith.constant 0 : i32
      %dma_wait3A_34 = tpu.memref_slice %arg10[%add3A_8, %dma_wait3A] : memref<10240x48xf32, #tpu.memory_space<vmem_shared>> -> memref<128x48xf32, #tpu.memory_space<vmem_shared>>
      %dma_wait3A_35 = arith.constant 0 : i32
      %dma_wait3A_36 = tpu.memref_slice %arg10[%add3A_8, %dma_wait3A_35] : memref<10240x48xf32, #tpu.memory_space<vmem_shared>> -> memref<128x48xf32, #tpu.memory_space<vmem_shared>>
      tpu.wait_dma2 semaphore(%run_scoped3A : memref<!tpu.dma_semaphore, #tpu.memory_space<semaphore_mem>>) src(%arg9 : memref<128x48xf32, #tpu.memory_space<vmem>>) dst(%dma_wait3A_36 : memref<128x48xf32, #tpu.memory_space<vmem_shared>>)
      tpu.yield
    }) : () -> ()
    %mul3A_9 = arith.constant 640 : i32
    %mul3A_10 = arith.muli %arg1, %mul3A_9 : i32
    %add3A_11 = arith.constant 256 : i32
    %add3A_12 = arith.addi %mul3A_10, %add3A_11 : i32
    "tpu.region"() ({
      %run_scoped3A = tpu.sem_alloc : memref<!tpu.dma_semaphore, #tpu.memory_space<semaphore_mem>>
      %dma_start3A = arith.constant 0 : i32
      %dma_start3A_31 = tpu.memref_slice %arg10[%add3A_12, %dma_start3A] : memref<10240x48xf32, #tpu.memory_space<vmem_shared>> -> memref<128x48xf32, #tpu.memory_space<vmem_shared>>
      %dma_start3A_32 = arith.constant 0 : i32
      %dma_start3A_33 = tpu.memref_slice %arg10[%add3A_12, %dma_start3A_32] : memref<10240x48xf32, #tpu.memory_space<vmem_shared>> -> memref<128x48xf32, #tpu.memory_space<vmem_shared>>
      tpu.enqueue_dma source(%arg9 : memref<128x48xf32, #tpu.memory_space<vmem>>) target(%dma_start3A_33 : memref<128x48xf32, #tpu.memory_space<vmem_shared>>) target_semaphore(%run_scoped3A : memref<!tpu.dma_semaphore, #tpu.memory_space<semaphore_mem>>)
      %dma_wait3A = arith.constant 0 : i32
      %dma_wait3A_34 = tpu.memref_slice %arg10[%add3A_12, %dma_wait3A] : memref<10240x48xf32, #tpu.memory_space<vmem_shared>> -> memref<128x48xf32, #tpu.memory_space<vmem_shared>>
      %dma_wait3A_35 = arith.constant 0 : i32
      %dma_wait3A_36 = tpu.memref_slice %arg10[%add3A_12, %dma_wait3A_35] : memref<10240x48xf32, #tpu.memory_space<vmem_shared>> -> memref<128x48xf32, #tpu.memory_space<vmem_shared>>
      tpu.wait_dma2 semaphore(%run_scoped3A : memref<!tpu.dma_semaphore, #tpu.memory_space<semaphore_mem>>) src(%arg9 : memref<128x48xf32, #tpu.memory_space<vmem>>) dst(%dma_wait3A_36 : memref<128x48xf32, #tpu.memory_space<vmem_shared>>)
      tpu.yield
    }) : () -> ()
    %mul3A_13 = arith.constant 640 : i32
    %mul3A_14 = arith.muli %arg1, %mul3A_13 : i32
    %add3A_15 = arith.constant 384 : i32
    %add3A_16 = arith.addi %mul3A_14, %add3A_15 : i32
    "tpu.region"() ({
      %run_scoped3A = tpu.sem_alloc : memref<!tpu.dma_semaphore, #tpu.memory_space<semaphore_mem>>
      %dma_start3A = arith.constant 0 : i32
      %dma_start3A_31 = tpu.memref_slice %arg10[%add3A_16, %dma_start3A] : memref<10240x48xf32, #tpu.memory_space<vmem_shared>> -> memref<128x48xf32, #tpu.memory_space<vmem_shared>>
      %dma_start3A_32 = arith.constant 0 : i32
      %dma_start3A_33 = tpu.memref_slice %arg10[%add3A_16, %dma_start3A_32] : memref<10240x48xf32, #tpu.memory_space<vmem_shared>> -> memref<128x48xf32, #tpu.memory_space<vmem_shared>>
      tpu.enqueue_dma source(%arg9 : memref<128x48xf32, #tpu.memory_space<vmem>>) target(%dma_start3A_33 : memref<128x48xf32, #tpu.memory_space<vmem_shared>>) target_semaphore(%run_scoped3A : memref<!tpu.dma_semaphore, #tpu.memory_space<semaphore_mem>>)
      %dma_wait3A = arith.constant 0 : i32
      %dma_wait3A_34 = tpu.memref_slice %arg10[%add3A_16, %dma_wait3A] : memref<10240x48xf32, #tpu.memory_space<vmem_shared>> -> memref<128x48xf32, #tpu.memory_space<vmem_shared>>
      %dma_wait3A_35 = arith.constant 0 : i32
      %dma_wait3A_36 = tpu.memref_slice %arg10[%add3A_16, %dma_wait3A_35] : memref<10240x48xf32, #tpu.memory_space<vmem_shared>> -> memref<128x48xf32, #tpu.memory_space<vmem_shared>>
      tpu.wait_dma2 semaphore(%run_scoped3A : memref<!tpu.dma_semaphore, #tpu.memory_space<semaphore_mem>>) src(%arg9 : memref<128x48xf32, #tpu.memory_space<vmem>>) dst(%dma_wait3A_36 : memref<128x48xf32, #tpu.memory_space<vmem_shared>>)
      tpu.yield
    }) : () -> ()
    %mul3A_17 = arith.constant 640 : i32
    %mul3A_18 = arith.muli %arg1, %mul3A_17 : i32
    %add3A_19 = arith.constant 512 : i32
    %add3A_20 = arith.addi %mul3A_18, %add3A_19 : i32
    "tpu.region"() ({
      %run_scoped3A = tpu.sem_alloc : memref<!tpu.dma_semaphore, #tpu.memory_space<semaphore_mem>>
      %dma_start3A = arith.constant 0 : i32
      %dma_start3A_31 = tpu.memref_slice %arg10[%add3A_20, %dma_start3A] : memref<10240x48xf32, #tpu.memory_space<vmem_shared>> -> memref<128x48xf32, #tpu.memory_space<vmem_shared>>
      %dma_start3A_32 = arith.constant 0 : i32
      %dma_start3A_33 = tpu.memref_slice %arg10[%add3A_20, %dma_start3A_32] : memref<10240x48xf32, #tpu.memory_space<vmem_shared>> -> memref<128x48xf32, #tpu.memory_space<vmem_shared>>
      tpu.enqueue_dma source(%arg9 : memref<128x48xf32, #tpu.memory_space<vmem>>) target(%dma_start3A_33 : memref<128x48xf32, #tpu.memory_space<vmem_shared>>) target_semaphore(%run_scoped3A : memref<!tpu.dma_semaphore, #tpu.memory_space<semaphore_mem>>)
      %dma_wait3A = arith.constant 0 : i32
      %dma_wait3A_34 = tpu.memref_slice %arg10[%add3A_20, %dma_wait3A] : memref<10240x48xf32, #tpu.memory_space<vmem_shared>> -> memref<128x48xf32, #tpu.memory_space<vmem_shared>>
      %dma_wait3A_35 = arith.constant 0 : i32
      %dma_wait3A_36 = tpu.memref_slice %arg10[%add3A_20, %dma_wait3A_35] : memref<10240x48xf32, #tpu.memory_space<vmem_shared>> -> memref<128x48xf32, #tpu.memory_space<vmem_shared>>
      tpu.wait_dma2 semaphore(%run_scoped3A : memref<!tpu.dma_semaphore, #tpu.memory_space<semaphore_mem>>) src(%arg9 : memref<128x48xf32, #tpu.memory_space<vmem>>) dst(%dma_wait3A_36 : memref<128x48xf32, #tpu.memory_space<vmem_shared>>)
      tpu.yield
    }) : () -> ()
    %barrier3A = arith.constant 0 : index
    tpu.barrier barrier_id(%barrier3A)
    %scan3A = arith.constant 0 : i32
    %scan3A_21 = arith.constant 0 : i32
    %scan3A_22 = arith.constant 79 : i32
    %scan3A_23 = arith.addi %scan3A_21, %scan3A_22 : i32
    %scan3A_24 = arith.constant 1 : i32
    scf.for %scan3A_31 = %scan3A_21 to %scan3A_23 step %scan3A_24  : i32 {
      %dma_start3A = arith.constant 0 : i32
      %dma_start3A_32 = tpu.memref_slice %arg7[%scan3A_31, %dma_start3A] : memref<79x128xi32, #tpu.memory_space<vmem>> -> memref<1x128xi32, #tpu.memory_space<vmem>>
      %dma_start3A_33 = tpu.memref_squeeze %dma_start3A_32 : memref<1x128xi32, #tpu.memory_space<vmem>> -> memref<128xi32, #tpu.memory_space<vmem>>
      %dma_start3A_34 = arith.constant 0 : i32
      %dma_start3A_35 = arith.constant 0 : i32
      %dma_start3A_36 = tpu.memref_slice %arg2[%dma_start3A_34, %dma_start3A_35] : memref<10240x48xf32, #tpu.memory_space<hbm>> -> memref<10240x48xf32, #tpu.memory_space<hbm>>
      tpu.enqueue_indirect_dma source(%dma_start3A_36 : memref<10240x48xf32, #tpu.memory_space<hbm>>) target(%arg9 : memref<128x48xf32, #tpu.memory_space<vmem>>) offsets(%dma_start3A_33 : memref<128xi32, #tpu.memory_space<vmem>>) semaphore(%arg11 : memref<!tpu.dma_semaphore, #tpu.memory_space<semaphore_mem>>)
      %dma_wait3A = arith.constant 0 : i32
      %dma_wait3A_37 = tpu.memref_slice %arg7[%scan3A_31, %dma_wait3A] : memref<79x128xi32, #tpu.memory_space<vmem>> -> memref<1x128xi32, #tpu.memory_space<vmem>>
      %dma_wait3A_38 = tpu.memref_squeeze %dma_wait3A_37 : memref<1x128xi32, #tpu.memory_space<vmem>> -> memref<128xi32, #tpu.memory_space<vmem>>
      %dma_wait3A_39 = arith.constant 0 : i32
      %dma_wait3A_40 = arith.constant 0 : i32
      %dma_wait3A_41 = tpu.memref_slice %arg2[%dma_wait3A_39, %dma_wait3A_40] : memref<10240x48xf32, #tpu.memory_space<hbm>> -> memref<10240x48xf32, #tpu.memory_space<hbm>>
      tpu.wait_indirect_dma semaphore(%arg11 : memref<!tpu.dma_semaphore, #tpu.memory_space<semaphore_mem>>) src(%dma_wait3A_41 : memref<10240x48xf32, #tpu.memory_space<hbm>>) dst(%arg9 : memref<128x48xf32, #tpu.memory_space<vmem>>)
      "tpu.region"() ({
        %run_scoped3A = tpu.sem_alloc : memref<!tpu.dma_semaphore, #tpu.memory_space<semaphore_mem>>
        %dma_start3A_42 = arith.constant 0 : i32
        %dma_start3A_43 = tpu.memref_slice %arg8[%scan3A_31, %dma_start3A_42] : memref<79x128xi32, #tpu.memory_space<vmem>> -> memref<1x128xi32, #tpu.memory_space<vmem>>
        %dma_start3A_44 = tpu.memref_squeeze %dma_start3A_43 : memref<1x128xi32, #tpu.memory_space<vmem>> -> memref<128xi32, #tpu.memory_space<vmem>>
        %dma_start3A_45 = arith.constant 0 : i32
        %dma_start3A_46 = arith.constant 0 : i32
        %dma_start3A_47 = tpu.memref_slice %arg10[%dma_start3A_45, %dma_start3A_46] : memref<10240x48xf32, #tpu.memory_space<vmem_shared>> -> memref<10240x48xf32, #tpu.memory_space<vmem_shared>>
        tpu.enqueue_indirect_dma source(%arg9 : memref<128x48xf32, #tpu.memory_space<vmem>>) target(%dma_start3A_47 : memref<10240x48xf32, #tpu.memory_space<vmem_shared>>) offsets(%dma_start3A_44 : memref<128xi32, #tpu.memory_space<vmem>>) semaphore(%run_scoped3A : memref<!tpu.dma_semaphore, #tpu.memory_space<semaphore_mem>>) {add = true}
        %dma_wait3A_48 = arith.constant 0 : i32
        %dma_wait3A_49 = tpu.memref_slice %arg8[%scan3A_31, %dma_wait3A_48] : memref<79x128xi32, #tpu.memory_space<vmem>> -> memref<1x128xi32, #tpu.memory_space<vmem>>
        %dma_wait3A_50 = tpu.memref_squeeze %dma_wait3A_49 : memref<1x128xi32, #tpu.memory_space<vmem>> -> memref<128xi32, #tpu.memory_space<vmem>>
        %dma_wait3A_51 = arith.constant 0 : i32
        %dma_wait3A_52 = arith.constant 0 : i32
        %dma_wait3A_53 = tpu.memref_slice %arg10[%dma_wait3A_51, %dma_wait3A_52] : memref<10240x48xf32, #tpu.memory_space<vmem_shared>> -> memref<10240x48xf32, #tpu.memory_space<vmem_shared>>
        tpu.wait_indirect_dma semaphore(%run_scoped3A : memref<!tpu.dma_semaphore, #tpu.memory_space<semaphore_mem>>) src(%arg9 : memref<128x48xf32, #tpu.memory_space<vmem>>) dst(%dma_wait3A_53 : memref<10240x48xf32, #tpu.memory_space<vmem_shared>>)
        tpu.yield
      }) : () -> ()
    }
    %scan3A_25 = arith.constant 79 : i32
    %barrier3A_26 = arith.constant 0 : index
    tpu.barrier barrier_id(%barrier3A_26)
    %mul3A_27 = arith.constant 640 : i32
    %mul3A_28 = arith.muli %arg1, %mul3A_27 : i32
    %mul3A_29 = arith.constant 640 : i32
    %mul3A_30 = arith.muli %arg1, %mul3A_29 : i32
    "tpu.region"() ({
      %run_scoped3A = tpu.sem_alloc : memref<!tpu.dma_semaphore, #tpu.memory_space<semaphore_mem>>
      %dma_start3A = arith.constant 0 : i32
      %dma_start3A_31 = tpu.memref_slice %arg6[%arg0, %mul3A_30, %dma_start3A] : memref<2x10240x48xf32, #tpu.memory_space<hbm>> -> memref<1x640x48xf32, #tpu.memory_space<hbm>>
      %dma_start3A_32 = tpu.memref_squeeze %dma_start3A_31 : memref<1x640x48xf32, #tpu.memory_space<hbm>> -> memref<640x48xf32, #tpu.memory_space<hbm>>
      %dma_start3A_33 = arith.constant 0 : i32
      %dma_start3A_34 = tpu.memref_slice %arg10[%mul3A_28, %dma_start3A_33] : memref<10240x48xf32, #tpu.memory_space<vmem_shared>> -> memref<640x48xf32, #tpu.memory_space<vmem_shared>>
      tpu.enqueue_dma source(%dma_start3A_34 : memref<640x48xf32, #tpu.memory_space<vmem_shared>>) target(%dma_start3A_32 : memref<640x48xf32, #tpu.memory_space<hbm>>) target_semaphore(%run_scoped3A : memref<!tpu.dma_semaphore, #tpu.memory_space<semaphore_mem>>)
      %dma_wait3A = arith.constant 0 : i32
      %dma_wait3A_35 = tpu.memref_slice %arg6[%arg0, %mul3A_30, %dma_wait3A] : memref<2x10240x48xf32, #tpu.memory_space<hbm>> -> memref<1x640x48xf32, #tpu.memory_space<hbm>>
      %dma_wait3A_36 = tpu.memref_squeeze %dma_wait3A_35 : memref<1x640x48xf32, #tpu.memory_space<hbm>> -> memref<640x48xf32, #tpu.memory_space<hbm>>
      %dma_wait3A_37 = arith.constant 0 : i32
      %dma_wait3A_38 = tpu.memref_slice %arg10[%mul3A_28, %dma_wait3A_37] : memref<10240x48xf32, #tpu.memory_space<vmem_shared>> -> memref<640x48xf32, #tpu.memory_space<vmem_shared>>
      tpu.wait_dma2 semaphore(%run_scoped3A : memref<!tpu.dma_semaphore, #tpu.memory_space<semaphore_mem>>) src(%dma_wait3A_38 : memref<640x48xf32, #tpu.memory_space<vmem_shared>>) dst(%dma_wait3A_36 : memref<640x48xf32, #tpu.memory_space<hbm>>)
      tpu.yield
    }) : () -> ()
    return
  }
}

module attributes {stable_mosaic.version = 14 : i64} {
  func.func @body(%arg0: i32, %arg1: memref<1024x32xf32, #tpu.memory_space<vmem>>, %arg2: memref<1024x128xf32, #tpu.memory_space<vmem>>, %arg3: memref<128x128xf32, #tpu.memory_space<vmem>>, %arg4: memref<1024x1xf32, #tpu.memory_space<vmem>>, %arg5: memref<1024x128xf32, #tpu.memory_space<vmem>>) attributes {dimension_semantics = [#tpu.dimension_semantics<arbitrary>], iteration_bounds = array<i64: 10>, scalar_prefetch = 0 : i64, scratch_operands = 0 : i64, tpu.core_type = #tpu.core_type<tc>, window_params = [{transform_indices = @transform_0, window_bounds = array<i64: 1024, 32>}, {transform_indices = @transform_1, window_bounds = array<i64: 1024, 128>}, {pipeline_mode = #tpu.pipeline_mode<synchronous>, transform_indices = @transform_2, window_bounds = array<i64: 128, 128>}, {transform_indices = @transform_3, window_bounds = array<i64: 1024, 1>}, {transform_indices = @transform_4, window_bounds = array<i64: 1024, 128>}]} {
    %get3A = arith.constant 0 : index
    %get3A_0 = arith.constant 0 : index
    %get3A_1 = vector.load %arg1[%get3A, %get3A_0] : memref<1024x32xf32, #tpu.memory_space<vmem>>, vector<1024x32xf32>
    %reduce_sum3A = arith.constant dense<0.000000e+00> : vector<1024xf32>
    %reduce_sum3A_2 = vector.multi_reduction <add>, %get3A_1, %reduce_sum3A [1] : vector<1024x32xf32> to vector<1024xf32>
    %broadcast_in_dim3A = vector.shape_cast %reduce_sum3A_2 : vector<1024xf32> to vector<1024x1xf32>
    %add3A = arith.constant 1.000000e+00 : f32
    %add3A_3 = vector.broadcast %add3A : f32 to vector<1024x1xf32>
    %add3A_4 = arith.addf %broadcast_in_dim3A, %add3A_3 : vector<1024x1xf32>
    %rsqrt3A = math.rsqrt %add3A_4 : vector<1024x1xf32>
    %swap3A = arith.constant 0 : index
    %swap3A_5 = arith.constant 0 : index
    %swap3A_6 = vector.load %arg4[%swap3A, %swap3A_5] : memref<1024x1xf32, #tpu.memory_space<vmem>>, vector<1024x1xf32>
    tpu.vector_store %arg4[%swap3A, %swap3A_5], %rsqrt3A {strides = array<i32>} : memref<1024x1xf32, #tpu.memory_space<vmem>>, vector<1024x1xf32>,
    %get3A_7 = arith.constant 0 : index
    %get3A_8 = arith.constant 0 : index
    %get3A_9 = vector.load %arg2[%get3A_7, %get3A_8] : memref<1024x128xf32, #tpu.memory_space<vmem>>, vector<1024x128xf32>
    %get3A_10 = arith.constant 0 : index
    %get3A_11 = arith.constant 0 : index
    %get3A_12 = vector.load %arg3[%get3A_10, %get3A_11] : memref<128x128xf32, #tpu.memory_space<vmem>>, vector<128x128xf32>
    %dot_general3A = arith.constant dense<0.000000e+00> : vector<1024x128xf32>
    %dot_general3A_13 = tpu.matmul %get3A_9, %get3A_12, %dot_general3A {dimension_numbers = #tpu.dot_dimension_numbers<[1], [0], [0], [1], [0, 0, 1, 1], [], []>, transpose_lhs_hint = false} : vector<1024x128xf32>, vector<128x128xf32>, vector<1024x128xf32> -> vector<1024x128xf32>
    %mul3A = vector.broadcast %rsqrt3A : vector<1024x1xf32> to vector<1024x128xf32>
    %mul3A_14 = arith.mulf %dot_general3A_13, %mul3A : vector<1024x128xf32>
    %swap3A_15 = arith.constant 0 : index
    %swap3A_16 = arith.constant 0 : index
    %swap3A_17 = vector.load %arg5[%swap3A_15, %swap3A_16] : memref<1024x128xf32, #tpu.memory_space<vmem>>, vector<1024x128xf32>
    tpu.vector_store %arg5[%swap3A_15, %swap3A_16], %mul3A_14 {strides = array<i32>} : memref<1024x128xf32, #tpu.memory_space<vmem>>, vector<1024x128xf32>,
    return
  }
  func.func @transform_0(%arg0: i32) -> (i32, i32) {
    %c0_i32 = arith.constant 0 : i32
    %c0_i32_0 = arith.constant 0 : i32
    return %arg0, %c0_i32 : i32, i32
  }
  func.func @transform_1(%arg0: i32) -> (i32, i32) {
    %c0_i32 = arith.constant 0 : i32
    %c0_i32_0 = arith.constant 0 : i32
    return %arg0, %c0_i32 : i32, i32
  }
  func.func @transform_2(%arg0: i32) -> (i32, i32) {
    %c0_i32 = arith.constant 0 : i32
    %c0_i32_0 = arith.constant 0 : i32
    %c0_i32_1 = arith.constant 0 : i32
    return %c0_i32, %c0_i32_0 : i32, i32
  }
  func.func @transform_3(%arg0: i32) -> (i32, i32) {
    %c0_i32 = arith.constant 0 : i32
    %c0_i32_0 = arith.constant 0 : i32
    return %arg0, %c0_i32 : i32, i32
  }
  func.func @transform_4(%arg0: i32) -> (i32, i32) {
    %c0_i32 = arith.constant 0 : i32
    %c0_i32_0 = arith.constant 0 : i32
    return %arg0, %c0_i32 : i32, i32
  }
}

module attributes {stable_mosaic.version = 14 : i64} {
  func.func @body(%arg0: i32, %arg1: memref<1024x128xf32, #tpu.memory_space<vmem>>, %arg2: memref<1024x128xf32, #tpu.memory_space<vmem>>, %arg3: memref<1024x128xf32, #tpu.memory_space<vmem>>, %arg4: memref<1024x1xf32, #tpu.memory_space<vmem>>, %arg5: memref<1x128xf32, #tpu.memory_space<vmem>>, %arg6: memref<1x128xf32, #tpu.memory_space<vmem>>, %arg7: memref<1x128xf32, #tpu.memory_space<vmem>>, %arg8: memref<128x128xf32, #tpu.memory_space<vmem>>, %arg9: memref<1024x128xf32, #tpu.memory_space<vmem>>, %arg10: memref<1024x128xf32, #tpu.memory_space<vmem>>) attributes {dimension_semantics = [#tpu.dimension_semantics<arbitrary>], iteration_bounds = array<i64: 10>, scalar_prefetch = 0 : i64, scratch_operands = 0 : i64, tpu.core_type = #tpu.core_type<tc>, window_params = [{transform_indices = @transform_0, window_bounds = array<i64: 1024, 128>}, {transform_indices = @transform_1, window_bounds = array<i64: 1024, 128>}, {transform_indices = @transform_2, window_bounds = array<i64: 1024, 128>}, {transform_indices = @transform_3, window_bounds = array<i64: 1024, 1>}, {pipeline_mode = #tpu.pipeline_mode<synchronous>, transform_indices = @transform_4, window_bounds = array<i64: 1, 128>}, {pipeline_mode = #tpu.pipeline_mode<synchronous>, transform_indices = @transform_5, window_bounds = array<i64: 1, 128>}, {pipeline_mode = #tpu.pipeline_mode<synchronous>, transform_indices = @transform_6, window_bounds = array<i64: 1, 128>}, {pipeline_mode = #tpu.pipeline_mode<synchronous>, transform_indices = @transform_7, window_bounds = array<i64: 128, 128>}, {transform_indices = @transform_8, window_bounds = array<i64: 1024, 128>}, {transform_indices = @transform_9, window_bounds = array<i64: 1024, 128>}]} {
    %get3A = arith.constant 0 : index
    %get3A_0 = arith.constant 0 : index
    %get3A_1 = vector.load %arg4[%get3A, %get3A_0] : memref<1024x1xf32, #tpu.memory_space<vmem>>, vector<1024x1xf32>
    %get3A_2 = arith.constant 0 : index
    %get3A_3 = arith.constant 0 : index
    %get3A_4 = vector.load %arg1[%get3A_2, %get3A_3] : memref<1024x128xf32, #tpu.memory_space<vmem>>, vector<1024x128xf32>
    %get3A_5 = arith.constant 0 : index
    %get3A_6 = arith.constant 0 : index
    %get3A_7 = vector.load %arg2[%get3A_5, %get3A_6] : memref<1024x128xf32, #tpu.memory_space<vmem>>, vector<1024x128xf32>
    %add3A = arith.addf %get3A_4, %get3A_7 : vector<1024x128xf32>
    %get3A_8 = arith.constant 0 : index
    %get3A_9 = arith.constant 0 : index
    %get3A_10 = vector.load %arg3[%get3A_8, %get3A_9] : memref<1024x128xf32, #tpu.memory_space<vmem>>, vector<1024x128xf32>
    %add3A_11 = arith.addf %add3A, %get3A_10 : vector<1024x128xf32>
    %mul3A = vector.broadcast %get3A_1 : vector<1024x1xf32> to vector<1024x128xf32>
    %mul3A_12 = arith.mulf %add3A_11, %mul3A : vector<1024x128xf32>
    %get3A_13 = arith.constant 0 : index
    %get3A_14 = arith.constant 0 : index
    %get3A_15 = vector.load %arg5[%get3A_13, %get3A_14] : memref<1x128xf32, #tpu.memory_space<vmem>>, vector<1x128xf32>
    %add3A_16 = vector.broadcast %get3A_15 : vector<1x128xf32> to vector<1024x128xf32>
    %add3A_17 = arith.addf %mul3A_12, %add3A_16 : vector<1024x128xf32>
    %get3A_18 = arith.constant 0 : index
    %get3A_19 = arith.constant 0 : index
    %get3A_20 = vector.load %arg6[%get3A_18, %get3A_19] : memref<1x128xf32, #tpu.memory_space<vmem>>, vector<1x128xf32>
    %mul3A_21 = arith.constant 0.999994993 : f32
    %mul3A_22 = vector.broadcast %mul3A_21 : f32 to vector<1x128xf32>
    %mul3A_23 = arith.mulf %get3A_20, %mul3A_22 : vector<1x128xf32>
    %mul3A_24 = vector.broadcast %mul3A_23 : vector<1x128xf32> to vector<1024x128xf32>
    %mul3A_25 = arith.mulf %add3A_17, %mul3A_24 : vector<1024x128xf32>
    %get3A_26 = arith.constant 0 : index
    %get3A_27 = arith.constant 0 : index
    %get3A_28 = vector.load %arg7[%get3A_26, %get3A_27] : memref<1x128xf32, #tpu.memory_space<vmem>>, vector<1x128xf32>
    %add3A_29 = vector.broadcast %get3A_28 : vector<1x128xf32> to vector<1024x128xf32>
    %add3A_30 = arith.addf %mul3A_25, %add3A_29 : vector<1024x128xf32>
    %get3A_31 = arith.constant 0 : index
    %get3A_32 = arith.constant 0 : index
    %get3A_33 = vector.load %arg9[%get3A_31, %get3A_32] : memref<1024x128xf32, #tpu.memory_space<vmem>>, vector<1024x128xf32>
    %add3A_34 = arith.addf %add3A_30, %get3A_33 : vector<1024x128xf32>
    %max3A = arith.constant 0.000000e+00 : f32
    %max3A_35 = vector.broadcast %max3A : f32 to vector<1024x128xf32>
    %max3A_36 = arith.maximumf %add3A_34, %max3A_35 : vector<1024x128xf32>
    %get3A_37 = arith.constant 0 : index
    %get3A_38 = arith.constant 0 : index
    %get3A_39 = vector.load %arg8[%get3A_37, %get3A_38] : memref<128x128xf32, #tpu.memory_space<vmem>>, vector<128x128xf32>
    %dot_general3A = arith.constant dense<0.000000e+00> : vector<1024x128xf32>
    %dot_general3A_40 = tpu.matmul %max3A_36, %get3A_39, %dot_general3A {dimension_numbers = #tpu.dot_dimension_numbers<[1], [0], [0], [1], [0, 0, 1, 1], [], []>, transpose_lhs_hint = false} : vector<1024x128xf32>, vector<128x128xf32>, vector<1024x128xf32> -> vector<1024x128xf32>
    %iota3A = tpu.iota {dimensions = array<i32: 0>} : vector<1024x1xi32>
    %mul3A_41 = arith.constant 1024 : i32
    %mul3A_42 = arith.muli %arg0, %mul3A_41 : i32
    %add3A_43 = vector.broadcast %mul3A_42 : i32 to vector<1024x1xi32>
    %add3A_44 = arith.addi %iota3A, %add3A_43 : vector<1024x1xi32>
    %lt3A = arith.constant 10000 : i32
    %lt3A_45 = vector.broadcast %lt3A : i32 to vector<1024x1xi32>
    %lt3A_46 = arith.cmpi slt, %add3A_44, %lt3A_45 : vector<1024x1xi32>
    %mul3A_47 = vector.broadcast %get3A_1 : vector<1024x1xf32> to vector<1024x128xf32>
    %mul3A_48 = arith.mulf %dot_general3A_40, %mul3A_47 : vector<1024x128xf32>
    %jit3A = arith.constant 0.000000e+00 : f32
    %broadcast_in_dim3A = vector.shape_cast %lt3A_46 : vector<1024x1xi1> to vector<1024x1xi1>
    %broadcast_in_dim3A_49 = vector.broadcast %broadcast_in_dim3A : vector<1024x1xi1> to vector<1024x128xi1>
    %broadcast_in_dim3A_50 = vector.broadcast %jit3A : f32 to vector<1024x128xf32>
    %select_n3A = arith.select %broadcast_in_dim3A_49, %mul3A_48, %broadcast_in_dim3A_50 : vector<1024x128xi1>, vector<1024x128xf32>
    %swap3A = arith.constant 0 : index
    %swap3A_51 = arith.constant 0 : index
    %swap3A_52 = vector.load %arg10[%swap3A, %swap3A_51] : memref<1024x128xf32, #tpu.memory_space<vmem>>, vector<1024x128xf32>
    tpu.vector_store %arg10[%swap3A, %swap3A_51], %select_n3A {strides = array<i32>} : memref<1024x128xf32, #tpu.memory_space<vmem>>, vector<1024x128xf32>,
    return
  }
  func.func @transform_0(%arg0: i32) -> (i32, i32) {
    %c0_i32 = arith.constant 0 : i32
    %c0_i32_0 = arith.constant 0 : i32
    return %arg0, %c0_i32 : i32, i32
  }
  func.func @transform_1(%arg0: i32) -> (i32, i32) {
    %c0_i32 = arith.constant 0 : i32
    %c0_i32_0 = arith.constant 0 : i32
    return %arg0, %c0_i32 : i32, i32
  }
  func.func @transform_2(%arg0: i32) -> (i32, i32) {
    %c0_i32 = arith.constant 0 : i32
    %c0_i32_0 = arith.constant 0 : i32
    return %arg0, %c0_i32 : i32, i32
  }
  func.func @transform_3(%arg0: i32) -> (i32, i32) {
    %c0_i32 = arith.constant 0 : i32
    %c0_i32_0 = arith.constant 0 : i32
    return %arg0, %c0_i32 : i32, i32
  }
  func.func @transform_4(%arg0: i32) -> (i32, i32) {
    %c0_i32 = arith.constant 0 : i32
    %c0_i32_0 = arith.constant 0 : i32
    %c0_i32_1 = arith.constant 0 : i32
    return %c0_i32, %c0_i32_0 : i32, i32
  }
  func.func @transform_5(%arg0: i32) -> (i32, i32) {
    %c0_i32 = arith.constant 0 : i32
    %c0_i32_0 = arith.constant 0 : i32
    %c0_i32_1 = arith.constant 0 : i32
    return %c0_i32, %c0_i32_0 : i32, i32
  }
  func.func @transform_6(%arg0: i32) -> (i32, i32) {
    %c0_i32 = arith.constant 0 : i32
    %c0_i32_0 = arith.constant 0 : i32
    %c0_i32_1 = arith.constant 0 : i32
    return %c0_i32, %c0_i32_0 : i32, i32
  }
  func.func @transform_7(%arg0: i32) -> (i32, i32) {
    %c0_i32 = arith.constant 0 : i32
    %c0_i32_0 = arith.constant 0 : i32
    %c0_i32_1 = arith.constant 0 : i32
    return %c0_i32, %c0_i32_0 : i32, i32
  }
  func.func @transform_8(%arg0: i32) -> (i32, i32) {
    %c0_i32 = arith.constant 0 : i32
    %c0_i32_0 = arith.constant 0 : i32
    return %arg0, %c0_i32 : i32, i32
  }
  func.func @transform_9(%arg0: i32) -> (i32, i32) {
    %c0_i32 = arith.constant 0 : i32
    %c0_i32_0 = arith.constant 0 : i32
    return %arg0, %c0_i32 : i32, i32
  }
}

module attributes {stable_mosaic.version = 14 : i64} {
  func.func @body(%arg0: i32, %arg1: memref<1024x128xf32, #tpu.memory_space<vmem>>, %arg2: memref<1024x128xf32, #tpu.memory_space<vmem>>, %arg3: memref<1024x128xf32, #tpu.memory_space<vmem>>, %arg4: memref<1024x1xf32, #tpu.memory_space<vmem>>, %arg5: memref<1x128xf32, #tpu.memory_space<vmem>>, %arg6: memref<1x128xf32, #tpu.memory_space<vmem>>, %arg7: memref<1x128xf32, #tpu.memory_space<vmem>>, %arg8: memref<128x48xf32, #tpu.memory_space<vmem>>, %arg9: memref<1024x48xf32, #tpu.memory_space<vmem>>) attributes {dimension_semantics = [#tpu.dimension_semantics<arbitrary>], iteration_bounds = array<i64: 10>, scalar_prefetch = 0 : i64, scratch_operands = 0 : i64, tpu.core_type = #tpu.core_type<tc>, window_params = [{transform_indices = @transform_0, window_bounds = array<i64: 1024, 128>}, {transform_indices = @transform_1, window_bounds = array<i64: 1024, 128>}, {transform_indices = @transform_2, window_bounds = array<i64: 1024, 128>}, {transform_indices = @transform_3, window_bounds = array<i64: 1024, 1>}, {pipeline_mode = #tpu.pipeline_mode<synchronous>, transform_indices = @transform_4, window_bounds = array<i64: 1, 128>}, {pipeline_mode = #tpu.pipeline_mode<synchronous>, transform_indices = @transform_5, window_bounds = array<i64: 1, 128>}, {pipeline_mode = #tpu.pipeline_mode<synchronous>, transform_indices = @transform_6, window_bounds = array<i64: 1, 128>}, {pipeline_mode = #tpu.pipeline_mode<synchronous>, transform_indices = @transform_7, window_bounds = array<i64: 128, 48>}, {transform_indices = @transform_8, window_bounds = array<i64: 1024, 48>}]} {
    %get3A = arith.constant 0 : index
    %get3A_0 = arith.constant 0 : index
    %get3A_1 = vector.load %arg4[%get3A, %get3A_0] : memref<1024x1xf32, #tpu.memory_space<vmem>>, vector<1024x1xf32>
    %get3A_2 = arith.constant 0 : index
    %get3A_3 = arith.constant 0 : index
    %get3A_4 = vector.load %arg1[%get3A_2, %get3A_3] : memref<1024x128xf32, #tpu.memory_space<vmem>>, vector<1024x128xf32>
    %get3A_5 = arith.constant 0 : index
    %get3A_6 = arith.constant 0 : index
    %get3A_7 = vector.load %arg2[%get3A_5, %get3A_6] : memref<1024x128xf32, #tpu.memory_space<vmem>>, vector<1024x128xf32>
    %add3A = arith.addf %get3A_4, %get3A_7 : vector<1024x128xf32>
    %get3A_8 = arith.constant 0 : index
    %get3A_9 = arith.constant 0 : index
    %get3A_10 = vector.load %arg3[%get3A_8, %get3A_9] : memref<1024x128xf32, #tpu.memory_space<vmem>>, vector<1024x128xf32>
    %add3A_11 = arith.addf %add3A, %get3A_10 : vector<1024x128xf32>
    %mul3A = vector.broadcast %get3A_1 : vector<1024x1xf32> to vector<1024x128xf32>
    %mul3A_12 = arith.mulf %add3A_11, %mul3A : vector<1024x128xf32>
    %get3A_13 = arith.constant 0 : index
    %get3A_14 = arith.constant 0 : index
    %get3A_15 = vector.load %arg5[%get3A_13, %get3A_14] : memref<1x128xf32, #tpu.memory_space<vmem>>, vector<1x128xf32>
    %add3A_16 = vector.broadcast %get3A_15 : vector<1x128xf32> to vector<1024x128xf32>
    %add3A_17 = arith.addf %mul3A_12, %add3A_16 : vector<1024x128xf32>
    %get3A_18 = arith.constant 0 : index
    %get3A_19 = arith.constant 0 : index
    %get3A_20 = vector.load %arg6[%get3A_18, %get3A_19] : memref<1x128xf32, #tpu.memory_space<vmem>>, vector<1x128xf32>
    %mul3A_21 = arith.constant 0.999994993 : f32
    %mul3A_22 = vector.broadcast %mul3A_21 : f32 to vector<1x128xf32>
    %mul3A_23 = arith.mulf %get3A_20, %mul3A_22 : vector<1x128xf32>
    %mul3A_24 = vector.broadcast %mul3A_23 : vector<1x128xf32> to vector<1024x128xf32>
    %mul3A_25 = arith.mulf %add3A_17, %mul3A_24 : vector<1024x128xf32>
    %get3A_26 = arith.constant 0 : index
    %get3A_27 = arith.constant 0 : index
    %get3A_28 = vector.load %arg7[%get3A_26, %get3A_27] : memref<1x128xf32, #tpu.memory_space<vmem>>, vector<1x128xf32>
    %add3A_29 = vector.broadcast %get3A_28 : vector<1x128xf32> to vector<1024x128xf32>
    %add3A_30 = arith.addf %mul3A_25, %add3A_29 : vector<1024x128xf32>
    %max3A = arith.constant 0.000000e+00 : f32
    %max3A_31 = vector.broadcast %max3A : f32 to vector<1024x128xf32>
    %max3A_32 = arith.maximumf %add3A_30, %max3A_31 : vector<1024x128xf32>
    %get3A_33 = arith.constant 0 : index
    %get3A_34 = arith.constant 0 : index
    %get3A_35 = vector.load %arg8[%get3A_33, %get3A_34] : memref<128x48xf32, #tpu.memory_space<vmem>>, vector<128x48xf32>
    %dot_general3A = arith.constant dense<0.000000e+00> : vector<1024x48xf32>
    %dot_general3A_36 = tpu.matmul %max3A_32, %get3A_35, %dot_general3A {dimension_numbers = #tpu.dot_dimension_numbers<[1], [0], [0], [1], [0, 0, 1, 1], [], []>, transpose_lhs_hint = false} : vector<1024x128xf32>, vector<128x48xf32>, vector<1024x48xf32> -> vector<1024x48xf32>
    %iota3A = tpu.iota {dimensions = array<i32: 0>} : vector<1024x1xi32>
    %mul3A_37 = arith.constant 1024 : i32
    %mul3A_38 = arith.muli %arg0, %mul3A_37 : i32
    %add3A_39 = vector.broadcast %mul3A_38 : i32 to vector<1024x1xi32>
    %add3A_40 = arith.addi %iota3A, %add3A_39 : vector<1024x1xi32>
    %lt3A = arith.constant 10000 : i32
    %lt3A_41 = vector.broadcast %lt3A : i32 to vector<1024x1xi32>
    %lt3A_42 = arith.cmpi slt, %add3A_40, %lt3A_41 : vector<1024x1xi32>
    %mul3A_43 = vector.broadcast %get3A_1 : vector<1024x1xf32> to vector<1024x48xf32>
    %mul3A_44 = arith.mulf %dot_general3A_36, %mul3A_43 : vector<1024x48xf32>
    %jit3A = arith.constant 0.000000e+00 : f32
    %broadcast_in_dim3A = vector.shape_cast %lt3A_42 : vector<1024x1xi1> to vector<1024x1xi1>
    %broadcast_in_dim3A_45 = vector.broadcast %broadcast_in_dim3A : vector<1024x1xi1> to vector<1024x48xi1>
    %broadcast_in_dim3A_46 = vector.broadcast %jit3A : f32 to vector<1024x48xf32>
    %select_n3A = arith.select %broadcast_in_dim3A_45, %mul3A_44, %broadcast_in_dim3A_46 : vector<1024x48xi1>, vector<1024x48xf32>
    %swap3A = arith.constant 0 : index
    %swap3A_47 = arith.constant 0 : index
    %swap3A_48 = vector.load %arg9[%swap3A, %swap3A_47] : memref<1024x48xf32, #tpu.memory_space<vmem>>, vector<1024x48xf32>
    tpu.vector_store %arg9[%swap3A, %swap3A_47], %select_n3A {strides = array<i32>} : memref<1024x48xf32, #tpu.memory_space<vmem>>, vector<1024x48xf32>,
    return
  }
  func.func @transform_0(%arg0: i32) -> (i32, i32) {
    %c0_i32 = arith.constant 0 : i32
    %c0_i32_0 = arith.constant 0 : i32
    return %arg0, %c0_i32 : i32, i32
  }
  func.func @transform_1(%arg0: i32) -> (i32, i32) {
    %c0_i32 = arith.constant 0 : i32
    %c0_i32_0 = arith.constant 0 : i32
    return %arg0, %c0_i32 : i32, i32
  }
  func.func @transform_2(%arg0: i32) -> (i32, i32) {
    %c0_i32 = arith.constant 0 : i32
    %c0_i32_0 = arith.constant 0 : i32
    return %arg0, %c0_i32 : i32, i32
  }
  func.func @transform_3(%arg0: i32) -> (i32, i32) {
    %c0_i32 = arith.constant 0 : i32
    %c0_i32_0 = arith.constant 0 : i32
    return %arg0, %c0_i32 : i32, i32
  }
  func.func @transform_4(%arg0: i32) -> (i32, i32) {
    %c0_i32 = arith.constant 0 : i32
    %c0_i32_0 = arith.constant 0 : i32
    %c0_i32_1 = arith.constant 0 : i32
    return %c0_i32, %c0_i32_0 : i32, i32
  }
  func.func @transform_5(%arg0: i32) -> (i32, i32) {
    %c0_i32 = arith.constant 0 : i32
    %c0_i32_0 = arith.constant 0 : i32
    %c0_i32_1 = arith.constant 0 : i32
    return %c0_i32, %c0_i32_0 : i32, i32
  }
  func.func @transform_6(%arg0: i32) -> (i32, i32) {
    %c0_i32 = arith.constant 0 : i32
    %c0_i32_0 = arith.constant 0 : i32
    %c0_i32_1 = arith.constant 0 : i32
    return %c0_i32, %c0_i32_0 : i32, i32
  }
  func.func @transform_7(%arg0: i32) -> (i32, i32) {
    %c0_i32 = arith.constant 0 : i32
    %c0_i32_0 = arith.constant 0 : i32
    %c0_i32_1 = arith.constant 0 : i32
    return %c0_i32, %c0_i32_0 : i32, i32
  }
  func.func @transform_8(%arg0: i32) -> (i32, i32) {
    %c0_i32 = arith.constant 0 : i32
    %c0_i32_0 = arith.constant 0 : i32
    return %arg0, %c0_i32 : i32, i32
  }
}

module attributes {stable_mosaic.version = 14 : i64} {
  func.func @body(%arg0: i32, %arg1: memref<1024x48xf32, #tpu.memory_space<vmem>>, %arg2: memref<1024x48xf32, #tpu.memory_space<vmem>>, %arg3: memref<1024x48xf32, #tpu.memory_space<vmem>>, %arg4: memref<1024x1xf32, #tpu.memory_space<vmem>>, %arg5: memref<1x48xf32, #tpu.memory_space<vmem>>, %arg6: memref<1024x48xf32, #tpu.memory_space<vmem>>) attributes {dimension_semantics = [#tpu.dimension_semantics<arbitrary>], iteration_bounds = array<i64: 10>, scalar_prefetch = 0 : i64, scratch_operands = 0 : i64, tpu.core_type = #tpu.core_type<tc>, window_params = [{transform_indices = @transform_0, window_bounds = array<i64: 1024, 48>}, {transform_indices = @transform_1, window_bounds = array<i64: 1024, 48>}, {transform_indices = @transform_2, window_bounds = array<i64: 1024, 48>}, {transform_indices = @transform_3, window_bounds = array<i64: 1024, 1>}, {pipeline_mode = #tpu.pipeline_mode<synchronous>, transform_indices = @transform_4, window_bounds = array<i64: 1, 48>}, {transform_indices = @transform_5, window_bounds = array<i64: 1024, 48>}]} {
    %get3A = arith.constant 0 : index
    %get3A_0 = arith.constant 0 : index
    %get3A_1 = vector.load %arg1[%get3A, %get3A_0] : memref<1024x48xf32, #tpu.memory_space<vmem>>, vector<1024x48xf32>
    %get3A_2 = arith.constant 0 : index
    %get3A_3 = arith.constant 0 : index
    %get3A_4 = vector.load %arg2[%get3A_2, %get3A_3] : memref<1024x48xf32, #tpu.memory_space<vmem>>, vector<1024x48xf32>
    %add3A = arith.addf %get3A_1, %get3A_4 : vector<1024x48xf32>
    %get3A_5 = arith.constant 0 : index
    %get3A_6 = arith.constant 0 : index
    %get3A_7 = vector.load %arg3[%get3A_5, %get3A_6] : memref<1024x48xf32, #tpu.memory_space<vmem>>, vector<1024x48xf32>
    %add3A_8 = arith.addf %add3A, %get3A_7 : vector<1024x48xf32>
    %get3A_9 = arith.constant 0 : index
    %get3A_10 = arith.constant 0 : index
    %get3A_11 = vector.load %arg4[%get3A_9, %get3A_10] : memref<1024x1xf32, #tpu.memory_space<vmem>>, vector<1024x1xf32>
    %mul3A = vector.broadcast %get3A_11 : vector<1024x1xf32> to vector<1024x48xf32>
    %mul3A_12 = arith.mulf %add3A_8, %mul3A : vector<1024x48xf32>
    %get3A_13 = arith.constant 0 : index
    %get3A_14 = arith.constant 0 : index
    %get3A_15 = vector.load %arg5[%get3A_13, %get3A_14] : memref<1x48xf32, #tpu.memory_space<vmem>>, vector<1x48xf32>
    %add3A_16 = vector.broadcast %get3A_15 : vector<1x48xf32> to vector<1024x48xf32>
    %add3A_17 = arith.addf %mul3A_12, %add3A_16 : vector<1024x48xf32>
    %iota3A = tpu.iota {dimensions = array<i32: 1>} : vector<1024x48xi32>
    %lt3A = arith.constant 40 : i32
    %lt3A_18 = vector.broadcast %lt3A : i32 to vector<1024x48xi32>
    %lt3A_19 = arith.cmpi slt, %iota3A, %lt3A_18 : vector<1024x48xi32>
    %jit3A = arith.constant -1.000000e+30 : f32
    %broadcast_in_dim3A = vector.broadcast %jit3A : f32 to vector<1024x48xf32>
    %select_n3A = arith.select %lt3A_19, %add3A_17, %broadcast_in_dim3A : vector<1024x48xi1>, vector<1024x48xf32>
    %reduce_max3A = arith.constant dense<0xFF800000> : vector<1024xf32>
    %reduce_max3A_20 = vector.multi_reduction <maximumf>, %select_n3A, %reduce_max3A [1] : vector<1024x48xf32> to vector<1024xf32>
    %broadcast_in_dim3A_21 = vector.shape_cast %reduce_max3A_20 : vector<1024xf32> to vector<1024x1xf32>
    %sub3A = vector.broadcast %broadcast_in_dim3A_21 : vector<1024x1xf32> to vector<1024x48xf32>
    %sub3A_22 = arith.subf %add3A_17, %sub3A : vector<1024x48xf32>
    %exp3A = math.exp %sub3A_22 : vector<1024x48xf32>
    %jit3A_23 = arith.constant 0.000000e+00 : f32
    %broadcast_in_dim3A_24 = vector.broadcast %jit3A_23 : f32 to vector<1024x48xf32>
    %select_n3A_25 = arith.select %lt3A_19, %exp3A, %broadcast_in_dim3A_24 : vector<1024x48xi1>, vector<1024x48xf32>
    %reduce_sum3A = arith.constant dense<0.000000e+00> : vector<1024xf32>
    %reduce_sum3A_26 = vector.multi_reduction <add>, %select_n3A_25, %reduce_sum3A [1] : vector<1024x48xf32> to vector<1024xf32>
    %broadcast_in_dim3A_27 = vector.shape_cast %reduce_sum3A_26 : vector<1024xf32> to vector<1024x1xf32>
    %log3A = math.log %broadcast_in_dim3A_27 : vector<1024x1xf32>
    %sub3A_28 = vector.broadcast %log3A : vector<1024x1xf32> to vector<1024x48xf32>
    %sub3A_29 = arith.subf %sub3A_22, %sub3A_28 : vector<1024x48xf32>
    %swap3A = arith.constant 0 : index
    %swap3A_30 = arith.constant 0 : index
    %swap3A_31 = vector.load %arg6[%swap3A, %swap3A_30] : memref<1024x48xf32, #tpu.memory_space<vmem>>, vector<1024x48xf32>
    tpu.vector_store %arg6[%swap3A, %swap3A_30], %sub3A_29 {strides = array<i32>} : memref<1024x48xf32, #tpu.memory_space<vmem>>, vector<1024x48xf32>,
    return
  }
  func.func @transform_0(%arg0: i32) -> (i32, i32) {
    %c0_i32 = arith.constant 0 : i32
    %c0_i32_0 = arith.constant 0 : i32
    return %arg0, %c0_i32 : i32, i32
  }
  func.func @transform_1(%arg0: i32) -> (i32, i32) {
    %c0_i32 = arith.constant 0 : i32
    %c0_i32_0 = arith.constant 0 : i32
    return %arg0, %c0_i32 : i32, i32
  }
  func.func @transform_2(%arg0: i32) -> (i32, i32) {
    %c0_i32 = arith.constant 0 : i32
    %c0_i32_0 = arith.constant 0 : i32
    return %arg0, %c0_i32 : i32, i32
  }
  func.func @transform_3(%arg0: i32) -> (i32, i32) {
    %c0_i32 = arith.constant 0 : i32
    %c0_i32_0 = arith.constant 0 : i32
    return %arg0, %c0_i32 : i32, i32
  }
  func.func @transform_4(%arg0: i32) -> (i32, i32) {
    %c0_i32 = arith.constant 0 : i32
    %c0_i32_0 = arith.constant 0 : i32
    %c0_i32_1 = arith.constant 0 : i32
    return %c0_i32, %c0_i32_0 : i32, i32
  }
  func.func @transform_5(%arg0: i32) -> (i32, i32) {
    %c0_i32 = arith.constant 0 : i32
    %c0_i32_0 = arith.constant 0 : i32
    return %arg0, %c0_i32 : i32, i32
  }
}

</mosaic_0001>

<sc_bundles>
// kernel: kernel.10.cloned.1.call-start
scs
__scs_entry_jumppad:
0x0: {  	(pc) =	sbr.rel $0x88, $3  }
0x1: {  	(tag) =	ssettag $0x0;
	lr =	simm.s32 $0x1  }
0x2: {  	[smem:$0x3F95] =	sst lr;
	_ =	strace $0xD0000000  }
0x3: {  	_ = 	snop  }
0x4: {  	_ = 	snop  }
0x5: {  	_ = 	snop  }
0x6: {  	_ = 	snop  }
0x7: {  	_ = 	snop  }
__scs_overlays_trampoline_lowered:
0x8: {  	[smem:$0x3FA4] =	sst s0  }
0x9: {  	[smem:$0x3FA5] =	sst s1  }
0xa: {  	[smem:$0x3FA6] =	sst s2  }
0xb: {  	[smem:$0x3FA7] =	sst s3  }
0xc: {  	[smem:$0x3FA8] =	sst s4  }
0xd: {  	[smem:$0x3FA9] =	sst s5  }
0xe: {  	[smem:$0x3FAA] =	sst s6  }
0xf: {  	[smem:$0x3FAB] =	sst s7  }
0x10: {  	[smem:$0x3FAC] =	sst s8  }
0x11: {  	[smem:$0x3FAD] =	sst s9;
	s0 =	simm.s32 @!p0 $0x0  }
0x12: {  	s1 =	sld [smem:$0x3F93];
	s0 =	simm.s32 @p0 $0x1  }
0x13: {  	[smem:$0x3FAE] =	sst s0;
	s0 =	simm.s32 @!p1 $0x0  }
0x14: {  	s2 =	sld [smem:$0x3F92];
	s0 =	simm.s32 @p1 $0x1  }
0x15: {  	[smem:$0x3FAF] =	sst s0;
	s0 =	simm.s32 @!p2 $0x0  }
0x16: {  	s3 =	sld [smem:$0x3FDB];
	s0 =	simm.s32 @p2 $0x1  }
0x17: {  	s4 =	simm.s32 $0x1BF5;
	[smem:$0x3FB1] =	sst s0  }
0x18: {  	s0 =	sld [smem:$0x3F94];
	_ =	swait.ge [sflag:s4], $0x0  }
0x19: {  	s7 =	sld [smem:$0x3F95]  }
0x1a: {  	s8 =	sadd.s32 $0xFFFFE003, lr  }
0x1b: {  	s9 =	sadd.s32 $0xFFFFFEF7, lr;
	s5 =	simm.s32 $0xFFFFFFFF;
	p2 =	slt.u32 s8, $0xFFFFF086  }
0x1c: {  	p1 =	slt.u32 s9, $0xF7A;
	s5 =	simm.s32 @!p2 $0x0  }
0x1d: {  	s5 =	simm.s32 @p1 $0x1;
	p0 =	seq.s32 s7, s2  }
0x1e: {  	s7 =	smul.u32 @!p0 $0xF7A, s2;
	p2 =	seq.s32 @!p0 s5, $0x0  }
0x1f: {  	s9 =	smul.u32 $0xF7A, s1;
	s8 =	simm.s32 @!p0 $0x1BF5;
	p2 =	por !p2, p0  }
0x20: {  	[sflag:s8] =	ssyncset.s32 @!p0 $0xFFFFF086;
	s6 =	sadd.s32 @!p0 s3, s7;
	s7 =	simm.s32 @!p0 $0x108  }
0x21: {  	s3 =	sadd.s32 s3, s9;
	s6 =	sadd.s32 @!p0 $0x88, s6;
	s7 =	simm.s32 @p2 $0x1082  }
0x22: {  	[simem:s7], [sflag:s8] =	dma.local @!p0 [hbm:s6], $0xF7A  }
0x23: {  	s9 =	sor.u32 $0xD0000000, s2;
	s6 =	simm.s32 $0x108;
	_ =	swait.ge @!p0 [sflag:s8], $0x0  }
0x24: {  	s3 =	sadd.s32 $0x88, s3;
	s6 =	simm.s32 @!p1 $0x1082;
	[sflag:s4] =	ssyncset.s32 $0xFFFFF086  }
0x25: {  	[simem:s6], [sflag:s4] =	dma.local [hbm:s3], $0xF7A  }
0x26: {  	[smem:$0x3F95] =	sst s1;
	(tag) =	ssettag s2;
	_ =	strace s9  }
0x27: {  	s1 =	sld [smem:$0x3FA5]  }
0x28: {  	s2 =	sld [smem:$0x3FA6]  }
0x29: {  	s4 =	sld [smem:$0x3FA8]  }
0x2a: {  	p0 =	seq.s32 s5, $0x0;
	s5 =	sld [smem:$0x3FA9]  }
0x2b: {  	s6 =	sld [smem:$0x3FAA]  }
0x2c: {  	s7 =	sld [smem:$0x3FAB]  }
0x2d: {  	s3 =	simm.s32 $0x108;
	s8 =	sld [smem:$0x3FAC]  }
0x2e: {  	s3 =	simm.s32 @!p0 $0x1082;
	s9 =	sld [smem:$0x3FAD]  }
0x2f: {  	lr =	sadd.s32 s0, s3;
	s0 =	sld [smem:$0x3FA4]  }
0x30: {  	s3 =	sld [smem:$0x3FA7]  }
0x31: {  	[smem:$0x3FB0] =	sst s10  }
0x32: {  	s10 =	sld [smem:$0x3FAE];
	_ =	sdelay $0x3  }
0x33: {  	p0 =	seq.s32 s10, $0x1;
	s10 =	sld [smem:$0x3FB0];
	_ =	sdelay $0x3  }
0x34: {  	[smem:$0x3FB0] =	sst s10  }
0x35: {  	s10 =	sld [smem:$0x3FAF];
	_ =	sdelay $0x3  }
0x36: {  	p1 =	seq.s32 s10, $0x1;
	s10 =	sld [smem:$0x3FB0];
	_ =	sdelay $0x3  }
0x37: {  	[smem:$0x3FB0] =	sst s10  }
0x38: {  	s10 =	sld [smem:$0x3FB1]  }
0x39: {  	_ = 	snop;
	(pc) =	sbr.ind lr, $3  }
0x3a: {  	_ = 	snop  }
0x3b: {  	_ = 	snop  }
0x3c: {  	p2 =	seq.s32 s10, $0x1;
	s10 =	sld [smem:$0x3FB0]  }
0x3d: {  	_ =	shalt  }
0x3e: {  	_ =	shalt  }
0x3f: {  	_ =	shalt  }
0x40: {  	_ =	shalt  }
0x41: {  	_ =	shalt  }
0x42: {  	_ =	shalt  }
0x43: {  	_ =	shalt  }
0x44: {  	_ =	shalt  }
0x45: {  	_ =	shalt  }
0x46: {  	_ =	shalt  }
0x47: {  	_ =	shalt  }
0x48: {  	_ =	shalt  }
0x49: {  	_ =	shalt  }
0x4a: {  	_ =	shalt  }
0x4b: {  	_ =	shalt  }
0x4c: {  	_ =	shalt  }
0x4d: {  	_ =	shalt  }
0x4e: {  	_ =	shalt  }
0x4f: {  	_ =	shalt  }
0x50: {  	_ =	shalt  }
0x51: {  	_ =	shalt  }
0x52: {  	_ =	shalt  }
0x53: {  	_ =	shalt  }
0x54: {  	_ =	shalt  }
0x55: {  	_ =	shalt  }
0x56: {  	_ =	shalt  }
0x57: {  	_ =	shalt  }
0x58: {  	_ =	shalt  }
0x59: {  	_ =	shalt  }
0x5a: {  	_ =	shalt  }
0x5b: {  	_ =	shalt  }
0x5c: {  	_ =	shalt  }
0x5d: {  	_ =	shalt  }
0x5e: {  	_ =	shalt  }
0x5f: {  	_ =	shalt  }
0x60: {  	_ =	shalt  }
0x61: {  	_ =	shalt  }
0x62: {  	_ =	shalt  }
0x63: {  	_ =	shalt  }
0x64: {  	_ =	shalt  }
0x65: {  	_ =	shalt  }
0x66: {  	_ =	shalt  }
0x67: {  	_ =	shalt  }
0x68: {  	_ =	shalt  }
0x69: {  	_ =	shalt  }
0x6a: {  	_ =	shalt  }
0x6b: {  	_ =	shalt  }
0x6c: {  	_ =	shalt  }
0x6d: {  	_ =	shalt  }
0x6e: {  	_ =	shalt  }
0x6f: {  	_ =	shalt  }
0x70: {  	_ =	shalt  }
0x71: {  	_ =	shalt  }
0x72: {  	_ =	shalt  }
0x73: {  	_ =	shalt  }
0x74: {  	_ =	shalt  }
0x75: {  	_ =	shalt  }
0x76: {  	_ =	shalt  }
0x77: {  	_ =	shalt  }
0x78: {  	_ =	shalt  }
0x79: {  	_ =	shalt  }
0x7a: {  	_ =	shalt  }
0x7b: {  	_ =	shalt  }
0x7c: {  	_ =	shalt  }
0x7d: {  	_ =	shalt  }
0x7e: {  	_ =	shalt  }
0x7f: {  	_ =	shalt  }
0x80: {  	_ =	shalt  }
0x81: {  	_ =	shalt  }
0x82: {  	_ =	shalt  }
0x83: {  	_ =	shalt  }
0x84: {  	_ =	shalt  }
0x85: {  	_ =	shalt  }
0x86: {  	_ =	shalt  }
0x87: {  	_ =	shalt  }
.Lfunc_end0:
.L_simem_size_0:
called_computation_lowered:
.L_overlay_start_0:
0x88: {  	s2 =	sld [smem:$0x3FD9]  }
0x89: {  	s3 =	sld [smem:$0x3FFE];
	_ =	sdelay $0x1  }
0x8a: {  	s1 =	srdreg.scid  }
0x8b: {  	s0 =	sand.u32 $0x1, s1  }
0x8c: {  	s17 =	sshll.u32 s0, $0xA;
	s2 =	sadd.s32 s3, s2  }
0x8d: {  	s2 =	sadd.s32 s2, s17  }
0x8e: {  	[smem:$0x3FBC] =	sst s2  }
0x8f: {  	_ = 	snop  }
0x90: {  	s2 =	sld [smem:$0x3FD0];
	(tm) =	ssettm $0x1  }
0x91: {  	s18 =	sld [smem:$0x3FFB];
	_ =	sdelay $0x3  }
0x92: {  	_ =	strace s18  }
0x93: {  	s3 =	sld [smem:$0x3FFC];
	_ =	sdelay $0x3  }
0x94: {  	_ =	strace s3  }
0x95: {  	s3 =	sld [smem:$0x3FFD];
	_ =	sdelay $0x3  }
0x96: {  	_ =	strace s3  }
0x97: {  	_ =	strace $0x8FFFFFFF  }
0x98: {  	s19 =	sld [smem:$0x3FDB];
	_ =	sdelay $0x1  }
0x99: {  	s4 =	simm.s32 $_scs_section_size  }
0x9a: {  	s5 =	simm.s32 $_size__tile_overlayer_lowered;
	s6 =	simm.s32 $_tile_overlayer_lowered  }
0x9b: {  	s22 =	simm.s32 $0x1BFF;
	s21 =	sshll.u32 s6, $0x1;
	s3 =	sadd.s32 s4, s19  }
0x9c: {  	s7 =	simm.s32 $0x0;
	s20 =	sshll.u32 s5, $0x1;
	s5 =	sadd.s32 s21, s3  }
0x9d: {  	[timem:s7], [sflag:s22] =	dma.local [hbm:s5], s20  }
0x9e: {  	_ =	swait.ge [sflag:s22], s20  }
0x9f: {  	s4 =	ssub.s32 $0x0, s20;
	[sflag:s22] =	ssyncset.done $0x0  }
0xa0: {  	[sflag:s22] =	ssyncadd.s32 s4;
	_ =	sdelay $0x1  }
0xa1: {  	s23 =	simm.s32 $0x1B8B  }
0xa2: {  	_ =	swait.ge [sflag:s23], $0x1  }
0xa3: {  	[sflag:s23] =	ssyncset.done $0x0  }
0xa4: {  	s25 =	simm.s32 $0x1B8E;
	s24 =	sld [smem:$0x3FFE];
	[sflag:s23] =	ssyncadd.s32 $0xFFFFFFFF  }
0xa5: {  	s26 =	simm.s32 $execute0_lowered;
	[smem:$0x3FD2] =	sst s25  }
0xa6: {  	s5 =	sshll.u32 s26, $0x1;
	_ =	strace $0x80000046;
	[dreg:$0x1] =	wrdreg $0xFFFFFFFF  }
0xa7: {  	s28 =	simm.s32 $_size_execute0_lowered;
	s3 =	sadd.s32 s3, s5;
	[dreg:$0x0] =	wrdreg $0x0  }
0xa8: {  	s5 =	sshll.u32 s28, $0x1;
	[dreg:$0x2] =	wrdreg s3  }
0xa9: {  	[dreg:$0x3] =	wrdreg s5  }
0xaa: {  	[dreg:$0x4] =	wrdreg $0xC0  }
0xab: {  	_ =	task [dreg:s7], $0x5FFFF  }
0xac: {  	[dreg:$0x1] =	wrdreg $0xFFFFFFFF  }
0xad: {  	[dreg:$0x0] =	wrdreg $0x60  }
0xae: {  	[dreg:$0x2] =	wrdreg s2  }
0xaf: {  	[dreg:$0x3] =	wrdreg s24  }
0xb0: {  	[dreg:$0x4] =	wrdreg $0x9  }
0xb1: {  	_ =	task.clear_ibuf [dreg:s7], $0x5FFFF;
	_ =	strace $0x90000046  }
0xb2: {  	s29 =	simm.s32 $0x9;
	_ =	strace $0x80000048  }
0xb3: {  	_ =	swait.ge [sflag:s29], $0x1  }
0xb4: {  	[sflag:s29] =	ssyncadd.s32 $0xFFFFFFFF  }
0xb5: {  	_ =	strace $0x90000048  }
0xb6: {  	_ =	sfence  }
0xb7: {  	s30 =	sld [smem:$0x0];
	_ =	sdelay $0x2  }
0xb8: {  	s31 =	sshll.u32 s1, $0xD;
	s1 =	sshrl.u32 s1, $0x2  }
0xb9: {  	s3 =	sand.u32 $0x4000, s31;
	s1 =	sadd.s32 s1, s30  }
0xba: {  	s0 =	sor.u32 s3, s0;
	s1 =	sshll.u32 s1, $0x11  }
0xbb: {  	s0 =	sor.u32 s1, s0  }
0xbc: {  	s0 =	sadd.s32 $0x8F2B, s0  }
0xbd: {  	[sflag:s0] =	ssyncadd.remote.s32 $0x1  }
0xbe: {  	_ =	sfence.sel $0xFFFF  }
0xbf: {  	[dreg:$0x0] =	wrdreg $0xFFFFFFFF;
	(pc) =	sbr.abs _section_cstart, $3  }
0xc0: {  	[dreg:$0x1] =	wrdreg $0xFFFFFFFF  }
0xc1: {  	_ =	task.clear_ibuf [dreg:s7], $0x2FFFF;
	_ =	strace $0x9FFFFFFF  }
0xc2: {  	(tm) =	ssettm $0x7FFFFFFF  }
0xc3: {  	_ =	shalt  }
tec
execute0_lowered:
.L_overlay_start_1:
0x0: {  	(tag) =	ssettag $0x1  }
0x1: {  	s4 =	rddreg [dreg:$0x0];
	s1 =	srdreg.scid  }
0x2: {  	s0 =	stileid.u32;
	s5 =	rddreg [dreg:$0x1]  }
0x3: {  	s9 =	simm.s32 $0x80;
	s10 =	simm.s32 $0x400;
	s11 =	simm.s32 $0x0  }
0x4: {  	s3 =	sand.u32 $0x1, s1;
	s2 =	sshll.u32 s0, $0x1;
	s1 =	rddreg [dreg:$0x2]  }
0x5: {  	s7 =	sshrl.u32 s0, $0x2;
	s6 =	sor.u32 s3, s2;
	s2 =	simm.s32 $0x0  }
0x6: {  	s7 =	smul.u32 $0x14000, s7;
	s30 =	ssub.s32 $0x2, s3;
	s8 =	sshll.u32 s6, $0x7  }
0x7: {  	s3 =	sadd.s32 $0xD200, s5;
	s6 =	smul.u32 $0x500, s6;
	s8 =	sand.u32 $0x380, s8  }
0x8: {  	[smem:$0x7FF] =	sst s2;
	s31 =	sshrl.u32 s30, $0x1;
	s7 =	sor.u32 s7, s8  }
0x9: {  	_ =	strace $0x80000047;
	s4 =	sadd.s32 s4, s6;
	s7 =	sshrl.u32 s7, $0x3  }
0xa: {  	s8 =	simm.s32 $0x2800;
	s5 =	sadd.s32 s7, s5;
	s7 =	ssub.s32 s30, s31  }
0xb: {  	v0 =	vimm.f32 $1.000000000e+00;
	s5 =	sadd.s32 $0xD800, s5;
	s6 =	smax.u32 s7, $0x1;
	s7 =	simm.s32 $0x1  }
.LBB2_1:
0xc: {  	[tilespmem:s2], [sflag:$0x1] =	stream.linear.gather [hbm4b:s4+s2], $0x2780, $0x38;
	[tilespmem:$0x5000] =	vst v63  }
0xd: {  	_ =	swait.ge [sflag:s7], $0x2780  }
0xe: {  	[sflag:s7] =	ssyncset.done $0x0  }
0xf: {  	[sflag:s7] =	ssyncadd.s32 $0xFFFFD880  }
0x10: {  	[tilespmem:s8], [sflag:$0x1] =	stream.linear.gather [hbm4b:s3+s2], $0x2800, $0x38;
	[tilespmem:$0x5000] =	vst v63  }
0x11: {  	_ =	swait.ge [sflag:s7], $0x2800  }
0x12: {  	[sflag:s7] =	ssyncset.done $0x0  }
0x13: {  	s12 =	simm.s32 $0x0;
	[sflag:s7] =	ssyncadd.s32 $0xFFFFD800  }
.LBB2_2:
0x14: {  	s13 =	sshra.s32 s12, $0x2  }
0x15: {  	v1 =	vld [tilespmem:s13+$0x0];
	_ =	sdelay $0x7  }
0x16: {  	[tilespmem:v1+s8+$0x0] =	vst.idx.add.f32.msk $0xffff, v0  }
0x17: {  	v1 =	vld [tilespmem:s13+$0x10];
	_ =	sdelay $0x7  }
0x18: {  	[tilespmem:v1+s8+$0x0] =	vst.idx.add.f32.msk $0xffff, v0  }
0x19: {  	v1 =	vld [tilespmem:s13+$0x20];
	_ =	sdelay $0x7  }
0x1a: {  	[tilespmem:v1+s8+$0x0] =	vst.idx.add.f32.msk $0xffff, v0  }
0x1b: {  	v1 =	vld [tilespmem:s13+$0x30];
	_ =	sdelay $0x7  }
0x1c: {  	[tilespmem:v1+s8+$0x0] =	vst.idx.add.f32.msk $0xffff, v0  }
0x1d: {  	v1 =	vld [tilespmem:s13+$0x40];
	_ =	sdelay $0x7  }
0x1e: {  	[tilespmem:v1+s8+$0x0] =	vst.idx.add.f32.msk $0xffff, v0  }
0x1f: {  	v1 =	vld [tilespmem:s13+$0x50];
	_ =	sdelay $0x7  }
0x20: {  	[tilespmem:v1+s8+$0x0] =	vst.idx.add.f32.msk $0xffff, v0  }
0x21: {  	v1 =	vld [tilespmem:s13+$0x60];
	_ =	sdelay $0x7  }
0x22: {  	[tilespmem:v1+s8+$0x0] =	vst.idx.add.f32.msk $0xffff, v0  }
0x23: {  	v1 =	vld [tilespmem:s13+$0x70];
	_ =	sdelay $0x2  }
0x24: {  	p0 =	sne.s32 s12, $0x9C00  }
.Ltmp0:
0x25: {  	_ = 	snop;
	(pc) =	sbr.rel @p0 .LBB2_2-.Ltmp0, $2  }
0x26: {  	_ =	sdelay $0x2  }
0x27: {  	s12 =	sadd.s32 $0x200, s12;
	[tilespmem:v1+s8+$0x0] =	vst.idx.add.f32.msk $0xffff, v0  }
0x28: {  	s11 =	sadd.s32 $0x1, s11  }
0x29: {  	p0 =	sne.s32 s11, s6  }
.Ltmp1:
0x2a: {  	_ = 	snop;
	(pc) =	sbr.rel @p0 .LBB2_1-.Ltmp1, $4  }
0x2b: {  	[hbm4b:s5+s9] =	stream.strided.scatter [tilespmem:s8], [sflag:$0x1], $0x2800, s10, s9, $0x38;
	[tilespmem:$0x5000] =	vst v63  }
0x2c: {  	_ =	swait.ge [sflag:s7], $0x2800  }
0x2d: {  	[sflag:s7] =	ssyncset.done $0x0  }
0x2e: {  	[sflag:s7] =	ssyncadd.s32 $0xFFFFD800  }
0x2f: {  	_ =	sfence.sel $0x180000  }
0x30: {  	[bflag:$0x0] =	sbarrier.arrive $0xFFFF  }
0x31: {  	p0 =	sne.s32 s0, $0x0;
	_ =	strace $0x90000047  }
0x32: {  	s0 =	sadd.s32 @!p0 $0x100000, s1;
	[bflag:$0x2] =	sbarrier.arrive $0xFFFF  }
0x33: {  	[sflag:s0] =	ssyncadd.tile.s32 @!p0 $0x1;
	_ =	shalt  }
.Lfunc_end2:
_tile_overlayer_lowered:
.L_overlay_start_2:
0x34: {  	(tag) =	ssettag $0x2  }
0x35: {  	s0 =	rddreg [dreg:$0x0];
	s2 =	stileid.u32  }
0x36: {  	s1 =	rddreg [dreg:$0x1];
	p0 =	sne.s32 s2, $0x0  }
0x37: {  	s3 =	rddreg [dreg:$0x2];
	[bflag:$0x3] =	sbarrier.arrive $0xFFFF;
	s2 =	simm.s32 @!p0 $0x1C01  }
0x38: {  	[timem:s3], [sflag:s2] =	dma.local @!p0 [hbm:s0], s1  }
0x39: {  	s0 =	simm.s32 @!p0 $0x1  }
0x3a: {  	_ =	swait.ge @!p0 [sflag:s0], s1  }
0x3b: {  	s1 =	ssub.s32 @!p0 $0x0, s1;
	[sflag:s0] =	ssyncset.done @!p0 $0x0  }
0x3c: {  	[sflag:s0] =	ssyncadd.s32 @!p0 s1  }
0x3d: {  	[bflag:$0x3] =	sbarrier.arrive $0xFFFF  }
0x3e: {  	_ =	shalt  }

// kernel: kernel.13.cloned.1.call-start
scs
__scs_entry_jumppad:
0x0: {  	(pc) =	sbr.rel $0x88, $3  }
0x1: {  	(tag) =	ssettag $0x0;
	lr =	simm.s32 $0x1  }
0x2: {  	[smem:$0x3F95] =	sst lr;
	_ =	strace $0xD0000000  }
0x3: {  	_ = 	snop  }
0x4: {  	_ = 	snop  }
0x5: {  	_ = 	snop  }
0x6: {  	_ = 	snop  }
0x7: {  	_ = 	snop  }
__scs_overlays_trampoline_lowered:
0x8: {  	[smem:$0x3FA4] =	sst s0  }
0x9: {  	[smem:$0x3FA5] =	sst s1  }
0xa: {  	[smem:$0x3FA6] =	sst s2  }
0xb: {  	[smem:$0x3FA7] =	sst s3  }
0xc: {  	[smem:$0x3FA8] =	sst s4  }
0xd: {  	[smem:$0x3FA9] =	sst s5  }
0xe: {  	[smem:$0x3FAA] =	sst s6  }
0xf: {  	[smem:$0x3FAB] =	sst s7  }
0x10: {  	[smem:$0x3FAC] =	sst s8  }
0x11: {  	[smem:$0x3FAD] =	sst s9;
	s0 =	simm.s32 @!p0 $0x0  }
0x12: {  	s1 =	sld [smem:$0x3F93];
	s0 =	simm.s32 @p0 $0x1  }
0x13: {  	[smem:$0x3FAE] =	sst s0;
	s0 =	simm.s32 @!p1 $0x0  }
0x14: {  	s2 =	sld [smem:$0x3F92];
	s0 =	simm.s32 @p1 $0x1  }
0x15: {  	[smem:$0x3FAF] =	sst s0;
	s0 =	simm.s32 @!p2 $0x0  }
0x16: {  	s3 =	sld [smem:$0x3FDB];
	s0 =	simm.s32 @p2 $0x1  }
0x17: {  	s4 =	simm.s32 $0x1BF5;
	[smem:$0x3FB1] =	sst s0  }
0x18: {  	s0 =	sld [smem:$0x3F94];
	_ =	swait.ge [sflag:s4], $0x0  }
0x19: {  	s7 =	sld [smem:$0x3F95]  }
0x1a: {  	s8 =	sadd.s32 $0xFFFFE003, lr  }
0x1b: {  	s9 =	sadd.s32 $0xFFFFFEF7, lr;
	s5 =	simm.s32 $0xFFFFFFFF;
	p2 =	slt.u32 s8, $0xFFFFF086  }
0x1c: {  	p1 =	slt.u32 s9, $0xF7A;
	s5 =	simm.s32 @!p2 $0x0  }
0x1d: {  	s5 =	simm.s32 @p1 $0x1;
	p0 =	seq.s32 s7, s2  }
0x1e: {  	s7 =	smul.u32 @!p0 $0xF7A, s2;
	p2 =	seq.s32 @!p0 s5, $0x0  }
0x1f: {  	s9 =	smul.u32 $0xF7A, s1;
	s8 =	simm.s32 @!p0 $0x1BF5;
	p2 =	por !p2, p0  }
0x20: {  	[sflag:s8] =	ssyncset.s32 @!p0 $0xFFFFF086;
	s6 =	sadd.s32 @!p0 s3, s7;
	s7 =	simm.s32 @!p0 $0x108  }
0x21: {  	s3 =	sadd.s32 s3, s9;
	s6 =	sadd.s32 @!p0 $0x88, s6;
	s7 =	simm.s32 @p2 $0x1082  }
0x22: {  	[simem:s7], [sflag:s8] =	dma.local @!p0 [hbm:s6], $0xF7A  }
0x23: {  	s9 =	sor.u32 $0xD0000000, s2;
	s6 =	simm.s32 $0x108;
	_ =	swait.ge @!p0 [sflag:s8], $0x0  }
0x24: {  	s3 =	sadd.s32 $0x88, s3;
	s6 =	simm.s32 @!p1 $0x1082;
	[sflag:s4] =	ssyncset.s32 $0xFFFFF086  }
0x25: {  	[simem:s6], [sflag:s4] =	dma.local [hbm:s3], $0xF7A  }
0x26: {  	[smem:$0x3F95] =	sst s1;
	(tag) =	ssettag s2;
	_ =	strace s9  }
0x27: {  	s1 =	sld [smem:$0x3FA5]  }
0x28: {  	s2 =	sld [smem:$0x3FA6]  }
0x29: {  	s4 =	sld [smem:$0x3FA8]  }
0x2a: {  	p0 =	seq.s32 s5, $0x0;
	s5 =	sld [smem:$0x3FA9]  }
0x2b: {  	s6 =	sld [smem:$0x3FAA]  }
0x2c: {  	s7 =	sld [smem:$0x3FAB]  }
0x2d: {  	s3 =	simm.s32 $0x108;
	s8 =	sld [smem:$0x3FAC]  }
0x2e: {  	s3 =	simm.s32 @!p0 $0x1082;
	s9 =	sld [smem:$0x3FAD]  }
0x2f: {  	lr =	sadd.s32 s0, s3;
	s0 =	sld [smem:$0x3FA4]  }
0x30: {  	s3 =	sld [smem:$0x3FA7]  }
0x31: {  	[smem:$0x3FB0] =	sst s10  }
0x32: {  	s10 =	sld [smem:$0x3FAE];
	_ =	sdelay $0x3  }
0x33: {  	p0 =	seq.s32 s10, $0x1;
	s10 =	sld [smem:$0x3FB0];
	_ =	sdelay $0x3  }
0x34: {  	[smem:$0x3FB0] =	sst s10  }
0x35: {  	s10 =	sld [smem:$0x3FAF];
	_ =	sdelay $0x3  }
0x36: {  	p1 =	seq.s32 s10, $0x1;
	s10 =	sld [smem:$0x3FB0];
	_ =	sdelay $0x3  }
0x37: {  	[smem:$0x3FB0] =	sst s10  }
0x38: {  	s10 =	sld [smem:$0x3FB1]  }
0x39: {  	_ = 	snop;
	(pc) =	sbr.ind lr, $3  }
0x3a: {  	_ = 	snop  }
0x3b: {  	_ = 	snop  }
0x3c: {  	p2 =	seq.s32 s10, $0x1;
	s10 =	sld [smem:$0x3FB0]  }
0x3d: {  	_ =	shalt  }
0x3e: {  	_ =	shalt  }
0x3f: {  	_ =	shalt  }
0x40: {  	_ =	shalt  }
0x41: {  	_ =	shalt  }
0x42: {  	_ =	shalt  }
0x43: {  	_ =	shalt  }
0x44: {  	_ =	shalt  }
0x45: {  	_ =	shalt  }
0x46: {  	_ =	shalt  }
0x47: {  	_ =	shalt  }
0x48: {  	_ =	shalt  }
0x49: {  	_ =	shalt  }
0x4a: {  	_ =	shalt  }
0x4b: {  	_ =	shalt  }
0x4c: {  	_ =	shalt  }
0x4d: {  	_ =	shalt  }
0x4e: {  	_ =	shalt  }
0x4f: {  	_ =	shalt  }
0x50: {  	_ =	shalt  }
0x51: {  	_ =	shalt  }
0x52: {  	_ =	shalt  }
0x53: {  	_ =	shalt  }
0x54: {  	_ =	shalt  }
0x55: {  	_ =	shalt  }
0x56: {  	_ =	shalt  }
0x57: {  	_ =	shalt  }
0x58: {  	_ =	shalt  }
0x59: {  	_ =	shalt  }
0x5a: {  	_ =	shalt  }
0x5b: {  	_ =	shalt  }
0x5c: {  	_ =	shalt  }
0x5d: {  	_ =	shalt  }
0x5e: {  	_ =	shalt  }
0x5f: {  	_ =	shalt  }
0x60: {  	_ =	shalt  }
0x61: {  	_ =	shalt  }
0x62: {  	_ =	shalt  }
0x63: {  	_ =	shalt  }
0x64: {  	_ =	shalt  }
0x65: {  	_ =	shalt  }
0x66: {  	_ =	shalt  }
0x67: {  	_ =	shalt  }
0x68: {  	_ =	shalt  }
0x69: {  	_ =	shalt  }
0x6a: {  	_ =	shalt  }
0x6b: {  	_ =	shalt  }
0x6c: {  	_ =	shalt  }
0x6d: {  	_ =	shalt  }
0x6e: {  	_ =	shalt  }
0x6f: {  	_ =	shalt  }
0x70: {  	_ =	shalt  }
0x71: {  	_ =	shalt  }
0x72: {  	_ =	shalt  }
0x73: {  	_ =	shalt  }
0x74: {  	_ =	shalt  }
0x75: {  	_ =	shalt  }
0x76: {  	_ =	shalt  }
0x77: {  	_ =	shalt  }
0x78: {  	_ =	shalt  }
0x79: {  	_ =	shalt  }
0x7a: {  	_ =	shalt  }
0x7b: {  	_ =	shalt  }
0x7c: {  	_ =	shalt  }
0x7d: {  	_ =	shalt  }
0x7e: {  	_ =	shalt  }
0x7f: {  	_ =	shalt  }
0x80: {  	_ =	shalt  }
0x81: {  	_ =	shalt  }
0x82: {  	_ =	shalt  }
0x83: {  	_ =	shalt  }
0x84: {  	_ =	shalt  }
0x85: {  	_ =	shalt  }
0x86: {  	_ =	shalt  }
0x87: {  	_ =	shalt  }
.Lfunc_end0:
.L_simem_size_0:
called_computation.1_lowered:
.L_overlay_start_0:
0x88: {  	s2 =	sld [smem:$0x3FD9]  }
0x89: {  	s3 =	sld [smem:$0x3FFE];
	_ =	sdelay $0x1  }
0x8a: {  	s1 =	srdreg.scid  }
0x8b: {  	s0 =	sand.u32 $0x1, s1  }
0x8c: {  	s17 =	sshll.u32 s0, $0xA;
	s2 =	sadd.s32 s3, s2  }
0x8d: {  	s2 =	sadd.s32 s2, s17  }
0x8e: {  	[smem:$0x3FBC] =	sst s2  }
0x8f: {  	_ = 	snop  }
0x90: {  	s2 =	sld [smem:$0x3FD0];
	(tm) =	ssettm $0x1  }
0x91: {  	s18 =	sld [smem:$0x3FFB];
	_ =	sdelay $0x3  }
0x92: {  	_ =	strace s18  }
0x93: {  	s3 =	sld [smem:$0x3FFC];
	_ =	sdelay $0x3  }
0x94: {  	_ =	strace s3  }
0x95: {  	s3 =	sld [smem:$0x3FFD];
	_ =	sdelay $0x3  }
0x96: {  	_ =	strace s3  }
0x97: {  	_ =	strace $0x8FFFFFFF  }
0x98: {  	s19 =	sld [smem:$0x3FDB];
	_ =	sdelay $0x1  }
0x99: {  	s4 =	simm.s32 $_scs_section_size  }
0x9a: {  	s5 =	simm.s32 $_size__tile_overlayer_lowered;
	s6 =	simm.s32 $_tile_overlayer_lowered  }
0x9b: {  	s22 =	simm.s32 $0x1BFF;
	s21 =	sshll.u32 s6, $0x1;
	s3 =	sadd.s32 s4, s19  }
0x9c: {  	s7 =	simm.s32 $0x0;
	s20 =	sshll.u32 s5, $0x1;
	s5 =	sadd.s32 s21, s3  }
0x9d: {  	[timem:s7], [sflag:s22] =	dma.local [hbm:s5], s20  }
0x9e: {  	_ =	swait.ge [sflag:s22], s20  }
0x9f: {  	s4 =	ssub.s32 $0x0, s20;
	[sflag:s22] =	ssyncset.done $0x0  }
0xa0: {  	[sflag:s22] =	ssyncadd.s32 s4;
	_ =	sdelay $0x1  }
0xa1: {  	s23 =	simm.s32 $0x1B8B  }
0xa2: {  	_ =	swait.ge [sflag:s23], $0x1  }
0xa3: {  	[sflag:s23] =	ssyncset.done $0x0  }
0xa4: {  	s25 =	simm.s32 $0x1B8E;
	s24 =	sld [smem:$0x3FFE];
	[sflag:s23] =	ssyncadd.s32 $0xFFFFFFFF  }
0xa5: {  	s26 =	simm.s32 $execute0_lowered;
	[smem:$0x3FD2] =	sst s25  }
0xa6: {  	s5 =	sshll.u32 s26, $0x1;
	_ =	strace $0x80000049;
	[dreg:$0x1] =	wrdreg $0xFFFFFFFF  }
0xa7: {  	s28 =	simm.s32 $_size_execute0_lowered;
	s3 =	sadd.s32 s3, s5;
	[dreg:$0x0] =	wrdreg $0x0  }
0xa8: {  	s5 =	sshll.u32 s28, $0x1;
	[dreg:$0x2] =	wrdreg s3  }
0xa9: {  	[dreg:$0x3] =	wrdreg s5  }
0xaa: {  	[dreg:$0x4] =	wrdreg $0xC0  }
0xab: {  	_ =	task [dreg:s7], $0x5FFFF  }
0xac: {  	[dreg:$0x1] =	wrdreg $0xFFFFFFFF  }
0xad: {  	[dreg:$0x0] =	wrdreg $0x60  }
0xae: {  	[dreg:$0x2] =	wrdreg s24  }
0xaf: {  	[dreg:$0x3] =	wrdreg s2  }
0xb0: {  	[dreg:$0x4] =	wrdreg $0x8F000  }
0xb1: {  	[dreg:$0x5] =	wrdreg $0x9  }
0xb2: {  	_ =	task.clear_ibuf [dreg:s7], $0x6FFFF;
	_ =	strace $0x90000049  }
0xb3: {  	s29 =	simm.s32 $0x9;
	_ =	strace $0x8000004B  }
0xb4: {  	_ =	swait.ge [sflag:s29], $0x1  }
0xb5: {  	[sflag:s29] =	ssyncadd.s32 $0xFFFFFFFF  }
0xb6: {  	_ =	strace $0x9000004B  }
0xb7: {  	_ =	sfence  }
0xb8: {  	s30 =	sld [smem:$0x0];
	_ =	sdelay $0x2  }
0xb9: {  	s31 =	sshll.u32 s1, $0xD;
	s1 =	sshrl.u32 s1, $0x2  }
0xba: {  	s3 =	sand.u32 $0x4000, s31;
	s1 =	sadd.s32 s1, s30  }
0xbb: {  	s0 =	sor.u32 s3, s0;
	s1 =	sshll.u32 s1, $0x11  }
0xbc: {  	s0 =	sor.u32 s1, s0  }
0xbd: {  	s0 =	sadd.s32 $0x8F2B, s0  }
0xbe: {  	[sflag:s0] =	ssyncadd.remote.s32 $0x1  }
0xbf: {  	_ =	sfence.sel $0xFFFF  }
0xc0: {  	[dreg:$0x0] =	wrdreg $0xFFFFFFFF;
	(pc) =	sbr.abs _section_cstart, $3  }
0xc1: {  	[dreg:$0x1] =	wrdreg $0xFFFFFFFF  }
0xc2: {  	_ =	task.clear_ibuf [dreg:s7], $0x2FFFF;
	_ =	strace $0x9FFFFFFF  }
0xc3: {  	(tm) =	ssettm $0x7FFFFFFF  }
tec
execute0_lowered:
.L_overlay_start_1:
0x0: {  	(tag) =	ssettag $0x1  }
0x1: {  	s6 =	rddreg [dreg:$0x0]  }
0x2: {  	s2 =	rddreg [dreg:$0x1]  }
0x3: {  	s3 =	rddreg [dreg:$0x2]  }
0x4: {  	s0 =	rddreg [dreg:$0x3];
	s5 =	srdreg.scid  }
0x5: {  	s1 =	stileid.u32;
	s4 =	simm.s32 $0x0;
	s15 =	simm.s32 $0x2  }
0x6: {  	s16 =	simm.s32 $0x2780;
	s17 =	simm.s32 $0x4F00;
	s18 =	simm.s32 $0x80  }
0x7: {  	s19 =	simm.s32 $0x1;
	s22 =	simm.s32 $0x0;
	s7 =	sand.u32 $0x1, s5  }
0x8: {  	s8 =	smul.u32 $0x14000, s1;
	[smem:$0x7FF] =	sst s4;
	s29 =	sshll.u32 s1, $0x1  }
0x9: {  	s5 =	sadd.s32 $0x49600, s6;
	s11 =	smul.u32 $0x50000, s1;
	s20 =	sshll.u32 s1, $0x6  }
0xa: {  	s9 =	smul.u32 $0x140000, s7;
	_ =	strace $0x8000004A;
	s10 =	sor.u32 s7, s29  }
0xb: {  	s7 =	ssub.s32 $0x2, s7;
	s20 =	sor.u32 $0x1C02, s20;
	s10 =	smul.u32 $0x4F0, s10  }
0xc: {  	s30 =	sshrl.u32 s7, $0x1;
	s31 =	sshrl.u32 s11, $0x2;
	s9 =	sadd.s32 s8, s9  }
0xd: {  	s14 =	ssub.s32 s7, s30;
	s8 =	sadd.s32 s8, s3;
	s12 =	sadd.s32 s31, s3  }
0xe: {  	s9 =	sshrl.u32 s9, $0x3;
	s10 =	sadd.s32 s10, s6;
	s11 =	sadd.s32 $0xC000, s12  }
0xf: {  	s14 =	smax.u32 s14, $0x1;
	s21 =	sshrl.u32 s8, $0x3;
	s13 =	sadd.s32 s9, s6  }
0x10: {  	s6 =	sadd.s32 $0x3F800, s10;
	s7 =	sadd.s32 $0x3400, s10;
	s9 =	sadd.s32 $0x4000, s12  }
0x11: {  	s10 =	sadd.s32 $0x8000, s12;
	s12 =	sadd.s32 $0x10000, s12;
	s13 =	sadd.s32 $0x99600, s13  }
.LBB2_1:
0x12: {  	[tilespmem:s4], [sflag:$0x2] =	stream.linear.gather [hbm4b:s6+s4], $0x2780, $0x38;
	[tilespmem:$0x1CF00] =	vst v63  }
0x13: {  	_ =	swait.ge [sflag:s15], $0x2780  }
0x14: {  	[sflag:s15] =	ssyncset.done $0x0  }
0x15: {  	[sflag:s15] =	ssyncadd.s32 $0xFFFFD880  }
0x16: {  	[tilespmem:s16], [sflag:$0x2] =	stream.linear.gather [hbm4b:s7+s4], $0x2780, $0x38;
	[tilespmem:$0x1CF00] =	vst v63  }
0x17: {  	_ =	swait.ge [sflag:s15], $0x2780  }
0x18: {  	[sflag:s15] =	ssyncset.done $0x0  }
0x19: {  	[sflag:s15] =	ssyncadd.s32 $0xFFFFD880  }
0x1a: {  	[tilespmem:s17], [sflag:$0x2] =	stream.linear.gather [hbm4b:s2+s4], $0x4000, $0x38;
	[tilespmem:$0x1CF00] =	vst v63  }
0x1b: {  	_ =	swait.ge [sflag:s15], $0x4000  }
0x1c: {  	[sflag:s15] =	ssyncset.done $0x0  }
0x1d: {  	[sflag:s15] =	ssyncadd.s32 $0xFFFFC000  }
0x1e: {  	[spmem:s8] =	stream.linear.scatter [tilespmem:s17], [sflag:$0x2], $0x4000, $0x38;
	[tilespmem:$0x1CF00] =	vst v63  }
0x1f: {  	_ =	swait.ge [sflag:s15], $0x4000  }
0x20: {  	[sflag:s15] =	ssyncset.done $0x0  }
0x21: {  	[sflag:s15] =	ssyncadd.s32 $0xFFFFC000  }
0x22: {  	[spmem:s9] =	stream.linear.scatter [tilespmem:s17], [sflag:$0x2], $0x4000, $0x38;
	[tilespmem:$0x1CF00] =	vst v63  }
0x23: {  	_ =	swait.ge [sflag:s15], $0x4000  }
0x24: {  	[sflag:s15] =	ssyncset.done $0x0  }
0x25: {  	[sflag:s15] =	ssyncadd.s32 $0xFFFFC000  }
0x26: {  	[spmem:s10] =	stream.linear.scatter [tilespmem:s17], [sflag:$0x2], $0x4000, $0x38;
	[tilespmem:$0x1CF00] =	vst v63  }
0x27: {  	_ =	swait.ge [sflag:s15], $0x4000  }
0x28: {  	[sflag:s15] =	ssyncset.done $0x0  }
0x29: {  	[sflag:s15] =	ssyncadd.s32 $0xFFFFC000  }
0x2a: {  	[spmem:s11] =	stream.linear.scatter [tilespmem:s17], [sflag:$0x2], $0x4000, $0x38;
	[tilespmem:$0x1CF00] =	vst v63  }
0x2b: {  	_ =	swait.ge [sflag:s15], $0x4000  }
0x2c: {  	[sflag:s15] =	ssyncset.done $0x0  }
0x2d: {  	[sflag:s15] =	ssyncadd.s32 $0xFFFFC000  }
0x2e: {  	[spmem:s12] =	stream.linear.scatter [tilespmem:s17], [sflag:$0x2], $0x4000, $0x38;
	[tilespmem:$0x1CF00] =	vst v63  }
0x2f: {  	_ =	swait.ge [sflag:s15], $0x4000  }
0x30: {  	[sflag:s15] =	ssyncset.done $0x0  }
0x31: {  	[sflag:s15] =	ssyncadd.s32 $0xFFFFC000  }
0x32: {  	s23 =	simm.s32 $0x0;
	[bflag:$0x0] =	sbarrier.arrive $0xFFFF  }
0x33: {  	[tilespmem:s17], [sflag:$0x1] =	stream.indirect.gather [hbm4b:s5+s18], $0x80, s23, s18, $0xb8;
	[tilespmem:$0x1CF00] =	vst v63  }
0x34: {  	_ =	swait.ge [sflag:s19], $0x4000  }
0x35: {  	[sflag:s19] =	ssyncset.done $0x0  }
0x36: {  	s31 =	simm.s32 $0x2780;
	[sflag:s19] =	ssyncadd.s32 $0xFFFFC000  }
0x37: {  	[spmem:s3] =	stream.indirect.scatter.add.f32 [tilespmem:s17], [sflag:$0x2], $0x80, s31, s18, $0xb8;
	[tilespmem:$0x1CF00] =	vst v63  }
0x38: {  	_ =	swait.ge [sflag:s15], $0x4000  }
0x39: {  	s24 =	simm.s32 $0x400;
	s23 =	simm.s32 $0x200;
	[sflag:s15] =	ssyncset.done $0x0  }
.LBB2_2:
0x3a: {  	s25 =	sshra.s32 s23, $0x2  }
0x3b: {  	[sflag:s15] =	ssyncadd.s32 $0xFFFFC000;
	s23 =	smov.u32 s24;
	s26 =	sadd.s32 $0x200, s24  }
0x3c: {  	[tilespmem:s17], [sflag:$0x1] =	stream.indirect.gather [hbm4b:s5+s18], $0x80, s25, s18, $0xb8;
	[tilespmem:$0x1CF00] =	vst v63  }
0x3d: {  	p0 =	sne.s32 s24, $0x9C00;
	_ =	swait.ge [sflag:s19], $0x4000  }
.Ltmp0:
0x3e: {  	[sflag:s19] =	ssyncset.done $0x0;
	(pc) =	sbr.rel @p0 .LBB2_2-.Ltmp0, $4  }
0x3f: {  	s24 =	sadd.s32 $0x2780, s25;
	[sflag:s19] =	ssyncadd.s32 $0xFFFFC000  }
0x40: {  	[spmem:s3] =	stream.indirect.scatter.add.f32 [tilespmem:s17], [sflag:$0x2], $0x80, s24, s18, $0xb8;
	[tilespmem:$0x1CF00] =	vst v63  }
0x41: {  	_ =	swait.ge [sflag:s15], $0x4000  }
0x42: {  	s24 =	smov.u32 s26;
	[sflag:s15] =	ssyncset.done $0x0  }
0x43: {  	s23 =	sshra.s32 s23, $0x2;
	[sflag:s15] =	ssyncadd.s32 $0xFFFFC000  }
0x44: {  	[tilespmem:s17], [sflag:$0x1] =	stream.indirect.gather [hbm4b:s5+s18], $0x80, s23, s18, $0xb8;
	[tilespmem:$0x1CF00] =	vst v63  }
0x45: {  	_ =	swait.ge [sflag:s19], $0x4000  }
0x46: {  	[sflag:s19] =	ssyncset.done $0x0  }
0x47: {  	s23 =	sadd.s32 $0x2780, s23;
	[sflag:s19] =	ssyncadd.s32 $0xFFFFC000  }
0x48: {  	[spmem:s3] =	stream.indirect.scatter.add.f32 [tilespmem:s17], [sflag:$0x2], $0x80, s23, s18, $0xb8;
	[tilespmem:$0x1CF00] =	vst v63  }
0x49: {  	_ =	swait.ge [sflag:s15], $0x4000  }
0x4a: {  	s22 =	sadd.s32 $0x1, s22;
	[sflag:s15] =	ssyncset.done $0x0  }
0x4b: {  	p0 =	sne.s32 s22, s14;
	[sflag:s15] =	ssyncadd.s32 $0xFFFFC000  }
.Ltmp1:
0x4c: {  	[bflag:$0x0] =	sbarrier.arrive $0xFFFF;
	(pc) =	sbr.rel @p0 .LBB2_1-.Ltmp1, $4  }
0x4d: {  	[hbm:s13], [sflag:s20] =	dma.local [spmem:s21], $0x2800  }
0x4e: {  	_ =	swait.ge [sflag:s15], $0x2800  }
0x4f: {  	[sflag:s15] =	ssyncset.done $0x0  }
0x50: {  	[sflag:s15] =	ssyncadd.s32 $0xFFFFD800  }
0x51: {  	_ =	sfence.sel $0x180000  }
0x52: {  	[bflag:$0x0] =	sbarrier.arrive $0xFFFF  }
0x53: {  	p0 =	sne.s32 s1, $0x0;
	_ =	strace $0x9000004A  }
0x54: {  	s0 =	sadd.s32 @!p0 $0x100000, s0;
	[bflag:$0x2] =	sbarrier.arrive $0xFFFF  }
0x55: {  	[sflag:s0] =	ssyncadd.tile.s32 @!p0 $0x1;
	_ =	shalt  }
.Lfunc_end2:
_tile_overlayer_lowered:
.L_overlay_start_2:
0x56: {  	(tag) =	ssettag $0x2  }
0x57: {  	s0 =	rddreg [dreg:$0x0];
	s2 =	stileid.u32  }
0x58: {  	s1 =	rddreg [dreg:$0x1];
	p0 =	sne.s32 s2, $0x0  }
0x59: {  	s3 =	rddreg [dreg:$0x2];
	[bflag:$0x3] =	sbarrier.arrive $0xFFFF;
	s2 =	simm.s32 @!p0 $0x1C02  }
0x5a: {  	[timem:s3], [sflag:s2] =	dma.local @!p0 [hbm:s0], s1  }
0x5b: {  	s0 =	simm.s32 @!p0 $0x2  }
0x5c: {  	_ =	swait.ge @!p0 [sflag:s0], s1  }
0x5d: {  	s1 =	ssub.s32 @!p0 $0x0, s1;
	[sflag:s0] =	ssyncset.done @!p0 $0x0  }
0x5e: {  	[sflag:s0] =	ssyncadd.s32 @!p0 s1  }
0x5f: {  	[bflag:$0x3] =	sbarrier.arrive $0xFFFF  }
0x60: {  	_ =	shalt  }

// kernel: kernel.16.cloned.1.call-start
scs
__scs_entry_jumppad:
0x0: {  	(pc) =	sbr.rel $0x88, $3  }
0x1: {  	(tag) =	ssettag $0x0;
	lr =	simm.s32 $0x1  }
0x2: {  	[smem:$0x3F95] =	sst lr;
	_ =	strace $0xD0000000  }
0x3: {  	_ = 	snop  }
0x4: {  	_ = 	snop  }
0x5: {  	_ = 	snop  }
0x6: {  	_ = 	snop  }
0x7: {  	_ = 	snop  }
__scs_overlays_trampoline_lowered:
0x8: {  	[smem:$0x3FA4] =	sst s0  }
0x9: {  	[smem:$0x3FA5] =	sst s1  }
0xa: {  	[smem:$0x3FA6] =	sst s2  }
0xb: {  	[smem:$0x3FA7] =	sst s3  }
0xc: {  	[smem:$0x3FA8] =	sst s4  }
0xd: {  	[smem:$0x3FA9] =	sst s5  }
0xe: {  	[smem:$0x3FAA] =	sst s6  }
0xf: {  	[smem:$0x3FAB] =	sst s7  }
0x10: {  	[smem:$0x3FAC] =	sst s8  }
0x11: {  	[smem:$0x3FAD] =	sst s9;
	s0 =	simm.s32 @!p0 $0x0  }
0x12: {  	s1 =	sld [smem:$0x3F93];
	s0 =	simm.s32 @p0 $0x1  }
0x13: {  	[smem:$0x3FAE] =	sst s0;
	s0 =	simm.s32 @!p1 $0x0  }
0x14: {  	s2 =	sld [smem:$0x3F92];
	s0 =	simm.s32 @p1 $0x1  }
0x15: {  	[smem:$0x3FAF] =	sst s0;
	s0 =	simm.s32 @!p2 $0x0  }
0x16: {  	s3 =	sld [smem:$0x3FDB];
	s0 =	simm.s32 @p2 $0x1  }
0x17: {  	s4 =	simm.s32 $0x1BF5;
	[smem:$0x3FB1] =	sst s0  }
0x18: {  	s0 =	sld [smem:$0x3F94];
	_ =	swait.ge [sflag:s4], $0x0  }
0x19: {  	s7 =	sld [smem:$0x3F95]  }
0x1a: {  	s8 =	sadd.s32 $0xFFFFE003, lr  }
0x1b: {  	s9 =	sadd.s32 $0xFFFFFEF7, lr;
	s5 =	simm.s32 $0xFFFFFFFF;
	p2 =	slt.u32 s8, $0xFFFFF086  }
0x1c: {  	p1 =	slt.u32 s9, $0xF7A;
	s5 =	simm.s32 @!p2 $0x0  }
0x1d: {  	s5 =	simm.s32 @p1 $0x1;
	p0 =	seq.s32 s7, s2  }
0x1e: {  	s7 =	smul.u32 @!p0 $0xF7A, s2;
	p2 =	seq.s32 @!p0 s5, $0x0  }
0x1f: {  	s9 =	smul.u32 $0xF7A, s1;
	s8 =	simm.s32 @!p0 $0x1BF5;
	p2 =	por !p2, p0  }
0x20: {  	[sflag:s8] =	ssyncset.s32 @!p0 $0xFFFFF086;
	s6 =	sadd.s32 @!p0 s3, s7;
	s7 =	simm.s32 @!p0 $0x108  }
0x21: {  	s3 =	sadd.s32 s3, s9;
	s6 =	sadd.s32 @!p0 $0x88, s6;
	s7 =	simm.s32 @p2 $0x1082  }
0x22: {  	[simem:s7], [sflag:s8] =	dma.local @!p0 [hbm:s6], $0xF7A  }
0x23: {  	s9 =	sor.u32 $0xD0000000, s2;
	s6 =	simm.s32 $0x108;
	_ =	swait.ge @!p0 [sflag:s8], $0x0  }
0x24: {  	s3 =	sadd.s32 $0x88, s3;
	s6 =	simm.s32 @!p1 $0x1082;
	[sflag:s4] =	ssyncset.s32 $0xFFFFF086  }
0x25: {  	[simem:s6], [sflag:s4] =	dma.local [hbm:s3], $0xF7A  }
0x26: {  	[smem:$0x3F95] =	sst s1;
	(tag) =	ssettag s2;
	_ =	strace s9  }
0x27: {  	s1 =	sld [smem:$0x3FA5]  }
0x28: {  	s2 =	sld [smem:$0x3FA6]  }
0x29: {  	s4 =	sld [smem:$0x3FA8]  }
0x2a: {  	p0 =	seq.s32 s5, $0x0;
	s5 =	sld [smem:$0x3FA9]  }
0x2b: {  	s6 =	sld [smem:$0x3FAA]  }
0x2c: {  	s7 =	sld [smem:$0x3FAB]  }
0x2d: {  	s3 =	simm.s32 $0x108;
	s8 =	sld [smem:$0x3FAC]  }
0x2e: {  	s3 =	simm.s32 @!p0 $0x1082;
	s9 =	sld [smem:$0x3FAD]  }
0x2f: {  	lr =	sadd.s32 s0, s3;
	s0 =	sld [smem:$0x3FA4]  }
0x30: {  	s3 =	sld [smem:$0x3FA7]  }
0x31: {  	[smem:$0x3FB0] =	sst s10  }
0x32: {  	s10 =	sld [smem:$0x3FAE];
	_ =	sdelay $0x3  }
0x33: {  	p0 =	seq.s32 s10, $0x1;
	s10 =	sld [smem:$0x3FB0];
	_ =	sdelay $0x3  }
0x34: {  	[smem:$0x3FB0] =	sst s10  }
0x35: {  	s10 =	sld [smem:$0x3FAF];
	_ =	sdelay $0x3  }
0x36: {  	p1 =	seq.s32 s10, $0x1;
	s10 =	sld [smem:$0x3FB0];
	_ =	sdelay $0x3  }
0x37: {  	[smem:$0x3FB0] =	sst s10  }
0x38: {  	s10 =	sld [smem:$0x3FB1]  }
0x39: {  	_ = 	snop;
	(pc) =	sbr.ind lr, $3  }
0x3a: {  	_ = 	snop  }
0x3b: {  	_ = 	snop  }
0x3c: {  	p2 =	seq.s32 s10, $0x1;
	s10 =	sld [smem:$0x3FB0]  }
0x3d: {  	_ =	shalt  }
0x3e: {  	_ =	shalt  }
0x3f: {  	_ =	shalt  }
0x40: {  	_ =	shalt  }
0x41: {  	_ =	shalt  }
0x42: {  	_ =	shalt  }
0x43: {  	_ =	shalt  }
0x44: {  	_ =	shalt  }
0x45: {  	_ =	shalt  }
0x46: {  	_ =	shalt  }
0x47: {  	_ =	shalt  }
0x48: {  	_ =	shalt  }
0x49: {  	_ =	shalt  }
0x4a: {  	_ =	shalt  }
0x4b: {  	_ =	shalt  }
0x4c: {  	_ =	shalt  }
0x4d: {  	_ =	shalt  }
0x4e: {  	_ =	shalt  }
0x4f: {  	_ =	shalt  }
0x50: {  	_ =	shalt  }
0x51: {  	_ =	shalt  }
0x52: {  	_ =	shalt  }
0x53: {  	_ =	shalt  }
0x54: {  	_ =	shalt  }
0x55: {  	_ =	shalt  }
0x56: {  	_ =	shalt  }
0x57: {  	_ =	shalt  }
0x58: {  	_ =	shalt  }
0x59: {  	_ =	shalt  }
0x5a: {  	_ =	shalt  }
0x5b: {  	_ =	shalt  }
0x5c: {  	_ =	shalt  }
0x5d: {  	_ =	shalt  }
0x5e: {  	_ =	shalt  }
0x5f: {  	_ =	shalt  }
0x60: {  	_ =	shalt  }
0x61: {  	_ =	shalt  }
0x62: {  	_ =	shalt  }
0x63: {  	_ =	shalt  }
0x64: {  	_ =	shalt  }
0x65: {  	_ =	shalt  }
0x66: {  	_ =	shalt  }
0x67: {  	_ =	shalt  }
0x68: {  	_ =	shalt  }
0x69: {  	_ =	shalt  }
0x6a: {  	_ =	shalt  }
0x6b: {  	_ =	shalt  }
0x6c: {  	_ =	shalt  }
0x6d: {  	_ =	shalt  }
0x6e: {  	_ =	shalt  }
0x6f: {  	_ =	shalt  }
0x70: {  	_ =	shalt  }
0x71: {  	_ =	shalt  }
0x72: {  	_ =	shalt  }
0x73: {  	_ =	shalt  }
0x74: {  	_ =	shalt  }
0x75: {  	_ =	shalt  }
0x76: {  	_ =	shalt  }
0x77: {  	_ =	shalt  }
0x78: {  	_ =	shalt  }
0x79: {  	_ =	shalt  }
0x7a: {  	_ =	shalt  }
0x7b: {  	_ =	shalt  }
0x7c: {  	_ =	shalt  }
0x7d: {  	_ =	shalt  }
0x7e: {  	_ =	shalt  }
0x7f: {  	_ =	shalt  }
0x80: {  	_ =	shalt  }
0x81: {  	_ =	shalt  }
0x82: {  	_ =	shalt  }
0x83: {  	_ =	shalt  }
0x84: {  	_ =	shalt  }
0x85: {  	_ =	shalt  }
0x86: {  	_ =	shalt  }
0x87: {  	_ =	shalt  }
.Lfunc_end0:
.L_simem_size_0:
called_computation.2_lowered:
.L_overlay_start_0:
0x88: {  	s2 =	sld [smem:$0x3FD9]  }
0x89: {  	s3 =	sld [smem:$0x3FFE];
	_ =	sdelay $0x1  }
0x8a: {  	s1 =	srdreg.scid  }
0x8b: {  	s0 =	sand.u32 $0x1, s1  }
0x8c: {  	s17 =	sshll.u32 s0, $0xA;
	s2 =	sadd.s32 s3, s2  }
0x8d: {  	s2 =	sadd.s32 s2, s17  }
0x8e: {  	[smem:$0x3FBC] =	sst s2  }
0x8f: {  	_ = 	snop  }
0x90: {  	s2 =	sld [smem:$0x3FD0];
	(tm) =	ssettm $0x1  }
0x91: {  	s18 =	sld [smem:$0x3FFB];
	_ =	sdelay $0x3  }
0x92: {  	_ =	strace s18  }
0x93: {  	s3 =	sld [smem:$0x3FFC];
	_ =	sdelay $0x3  }
0x94: {  	_ =	strace s3  }
0x95: {  	s3 =	sld [smem:$0x3FFD];
	_ =	sdelay $0x3  }
0x96: {  	_ =	strace s3  }
0x97: {  	_ =	strace $0x8FFFFFFF  }
0x98: {  	s19 =	sld [smem:$0x3FDB];
	_ =	sdelay $0x1  }
0x99: {  	s4 =	simm.s32 $_scs_section_size  }
0x9a: {  	s5 =	simm.s32 $_size__tile_overlayer_lowered;
	s6 =	simm.s32 $_tile_overlayer_lowered  }
0x9b: {  	s22 =	simm.s32 $0x1BFF;
	s21 =	sshll.u32 s6, $0x1;
	s3 =	sadd.s32 s4, s19  }
0x9c: {  	s7 =	simm.s32 $0x0;
	s20 =	sshll.u32 s5, $0x1;
	s5 =	sadd.s32 s21, s3  }
0x9d: {  	[timem:s7], [sflag:s22] =	dma.local [hbm:s5], s20  }
0x9e: {  	_ =	swait.ge [sflag:s22], s20  }
0x9f: {  	s4 =	ssub.s32 $0x0, s20;
	[sflag:s22] =	ssyncset.done $0x0  }
0xa0: {  	[sflag:s22] =	ssyncadd.s32 s4;
	_ =	sdelay $0x1  }
0xa1: {  	s23 =	simm.s32 $0x1B8B  }
0xa2: {  	_ =	swait.ge [sflag:s23], $0x1  }
0xa3: {  	[sflag:s23] =	ssyncset.done $0x0  }
0xa4: {  	s25 =	simm.s32 $0x1B8E;
	s24 =	sld [smem:$0x3FFE];
	[sflag:s23] =	ssyncadd.s32 $0xFFFFFFFF  }
0xa5: {  	s26 =	simm.s32 $execute0_lowered;
	[smem:$0x3FD2] =	sst s25  }
0xa6: {  	s5 =	sshll.u32 s26, $0x1;
	_ =	strace $0x8000004C;
	[dreg:$0x1] =	wrdreg $0xFFFFFFFF  }
0xa7: {  	s28 =	simm.s32 $_size_execute0_lowered;
	s3 =	sadd.s32 s3, s5;
	[dreg:$0x0] =	wrdreg $0x0  }
0xa8: {  	s5 =	sshll.u32 s28, $0x1;
	[dreg:$0x2] =	wrdreg s3  }
0xa9: {  	[dreg:$0x3] =	wrdreg s5  }
0xaa: {  	[dreg:$0x4] =	wrdreg $0xC0  }
0xab: {  	_ =	task [dreg:s7], $0x5FFFF  }
0xac: {  	[dreg:$0x1] =	wrdreg $0xFFFFFFFF  }
0xad: {  	[dreg:$0x0] =	wrdreg $0x60  }
0xae: {  	[dreg:$0x2] =	wrdreg s24  }
0xaf: {  	[dreg:$0x3] =	wrdreg s2  }
0xb0: {  	[dreg:$0x4] =	wrdreg $0x8F000  }
0xb1: {  	[dreg:$0x5] =	wrdreg $0x9  }
0xb2: {  	_ =	task.clear_ibuf [dreg:s7], $0x6FFFF;
	_ =	strace $0x9000004C  }
0xb3: {  	s29 =	simm.s32 $0x9;
	_ =	strace $0x8000004E  }
0xb4: {  	_ =	swait.ge [sflag:s29], $0x1  }
0xb5: {  	[sflag:s29] =	ssyncadd.s32 $0xFFFFFFFF  }
0xb6: {  	_ =	strace $0x9000004E  }
0xb7: {  	_ =	sfence  }
0xb8: {  	s30 =	sld [smem:$0x0];
	_ =	sdelay $0x2  }
0xb9: {  	s31 =	sshll.u32 s1, $0xD;
	s1 =	sshrl.u32 s1, $0x2  }
0xba: {  	s3 =	sand.u32 $0x4000, s31;
	s1 =	sadd.s32 s1, s30  }
0xbb: {  	s0 =	sor.u32 s3, s0;
	s1 =	sshll.u32 s1, $0x11  }
0xbc: {  	s0 =	sor.u32 s1, s0  }
0xbd: {  	s0 =	sadd.s32 $0x8F2B, s0  }
0xbe: {  	[sflag:s0] =	ssyncadd.remote.s32 $0x1  }
0xbf: {  	_ =	sfence.sel $0xFFFF  }
0xc0: {  	[dreg:$0x0] =	wrdreg $0xFFFFFFFF;
	(pc) =	sbr.abs _section_cstart, $3  }
0xc1: {  	[dreg:$0x1] =	wrdreg $0xFFFFFFFF  }
0xc2: {  	_ =	task.clear_ibuf [dreg:s7], $0x2FFFF;
	_ =	strace $0x9FFFFFFF  }
0xc3: {  	(tm) =	ssettm $0x7FFFFFFF  }
tec
execute0_lowered:
.L_overlay_start_1:
0x0: {  	(tag) =	ssettag $0x1  }
0x1: {  	s6 =	rddreg [dreg:$0x0]  }
0x2: {  	s2 =	rddreg [dreg:$0x1]  }
0x3: {  	s3 =	rddreg [dreg:$0x2]  }
0x4: {  	s0 =	rddreg [dreg:$0x3];
	s5 =	srdreg.scid  }
0x5: {  	s1 =	stileid.u32;
	s4 =	simm.s32 $0x0;
	s15 =	simm.s32 $0x2  }
0x6: {  	s16 =	simm.s32 $0x2780;
	s17 =	simm.s32 $0x4F00;
	s18 =	simm.s32 $0x80  }
0x7: {  	s19 =	simm.s32 $0x1;
	s22 =	simm.s32 $0x0;
	s7 =	sand.u32 $0x1, s5  }
0x8: {  	s8 =	smul.u32 $0x14000, s1;
	[smem:$0x7FF] =	sst s4;
	s29 =	sshll.u32 s1, $0x1  }
0x9: {  	s5 =	sadd.s32 $0x49600, s6;
	s11 =	smul.u32 $0x50000, s1;
	s20 =	sshll.u32 s1, $0x6  }
0xa: {  	s9 =	smul.u32 $0x140000, s7;
	_ =	strace $0x8000004D;
	s10 =	sor.u32 s7, s29  }
0xb: {  	s7 =	ssub.s32 $0x2, s7;
	s20 =	sor.u32 $0x1C02, s20;
	s10 =	smul.u32 $0x4F0, s10  }
0xc: {  	s30 =	sshrl.u32 s7, $0x1;
	s31 =	sshrl.u32 s11, $0x2;
	s9 =	sadd.s32 s8, s9  }
0xd: {  	s14 =	ssub.s32 s7, s30;
	s8 =	sadd.s32 s8, s3;
	s12 =	sadd.s32 s31, s3  }
0xe: {  	s9 =	sshrl.u32 s9, $0x3;
	s10 =	sadd.s32 s10, s6;
	s11 =	sadd.s32 $0xC000, s12  }
0xf: {  	s14 =	smax.u32 s14, $0x1;
	s21 =	sshrl.u32 s8, $0x3;
	s13 =	sadd.s32 s9, s6  }
0x10: {  	s6 =	sadd.s32 $0x3F800, s10;
	s7 =	sadd.s32 $0x3400, s10;
	s9 =	sadd.s32 $0x4000, s12  }
0x11: {  	s10 =	sadd.s32 $0x8000, s12;
	s12 =	sadd.s32 $0x10000, s12;
	s13 =	sadd.s32 $0x99600, s13  }
.LBB2_1:
0x12: {  	[tilespmem:s4], [sflag:$0x2] =	stream.linear.gather [hbm4b:s6+s4], $0x2780, $0x38;
	[tilespmem:$0x1CF00] =	vst v63  }
0x13: {  	_ =	swait.ge [sflag:s15], $0x2780  }
0x14: {  	[sflag:s15] =	ssyncset.done $0x0  }
0x15: {  	[sflag:s15] =	ssyncadd.s32 $0xFFFFD880  }
0x16: {  	[tilespmem:s16], [sflag:$0x2] =	stream.linear.gather [hbm4b:s7+s4], $0x2780, $0x38;
	[tilespmem:$0x1CF00] =	vst v63  }
0x17: {  	_ =	swait.ge [sflag:s15], $0x2780  }
0x18: {  	[sflag:s15] =	ssyncset.done $0x0  }
0x19: {  	[sflag:s15] =	ssyncadd.s32 $0xFFFFD880  }
0x1a: {  	[tilespmem:s17], [sflag:$0x2] =	stream.linear.gather [hbm4b:s2+s4], $0x4000, $0x38;
	[tilespmem:$0x1CF00] =	vst v63  }
0x1b: {  	_ =	swait.ge [sflag:s15], $0x4000  }
0x1c: {  	[sflag:s15] =	ssyncset.done $0x0  }
0x1d: {  	[sflag:s15] =	ssyncadd.s32 $0xFFFFC000  }
0x1e: {  	[spmem:s8] =	stream.linear.scatter [tilespmem:s17], [sflag:$0x2], $0x4000, $0x38;
	[tilespmem:$0x1CF00] =	vst v63  }
0x1f: {  	_ =	swait.ge [sflag:s15], $0x4000  }
0x20: {  	[sflag:s15] =	ssyncset.done $0x0  }
0x21: {  	[sflag:s15] =	ssyncadd.s32 $0xFFFFC000  }
0x22: {  	[spmem:s9] =	stream.linear.scatter [tilespmem:s17], [sflag:$0x2], $0x4000, $0x38;
	[tilespmem:$0x1CF00] =	vst v63  }
0x23: {  	_ =	swait.ge [sflag:s15], $0x4000  }
0x24: {  	[sflag:s15] =	ssyncset.done $0x0  }
0x25: {  	[sflag:s15] =	ssyncadd.s32 $0xFFFFC000  }
0x26: {  	[spmem:s10] =	stream.linear.scatter [tilespmem:s17], [sflag:$0x2], $0x4000, $0x38;
	[tilespmem:$0x1CF00] =	vst v63  }
0x27: {  	_ =	swait.ge [sflag:s15], $0x4000  }
0x28: {  	[sflag:s15] =	ssyncset.done $0x0  }
0x29: {  	[sflag:s15] =	ssyncadd.s32 $0xFFFFC000  }
0x2a: {  	[spmem:s11] =	stream.linear.scatter [tilespmem:s17], [sflag:$0x2], $0x4000, $0x38;
	[tilespmem:$0x1CF00] =	vst v63  }
0x2b: {  	_ =	swait.ge [sflag:s15], $0x4000  }
0x2c: {  	[sflag:s15] =	ssyncset.done $0x0  }
0x2d: {  	[sflag:s15] =	ssyncadd.s32 $0xFFFFC000  }
0x2e: {  	[spmem:s12] =	stream.linear.scatter [tilespmem:s17], [sflag:$0x2], $0x4000, $0x38;
	[tilespmem:$0x1CF00] =	vst v63  }
0x2f: {  	_ =	swait.ge [sflag:s15], $0x4000  }
0x30: {  	[sflag:s15] =	ssyncset.done $0x0  }
0x31: {  	[sflag:s15] =	ssyncadd.s32 $0xFFFFC000  }
0x32: {  	s23 =	simm.s32 $0x0;
	[bflag:$0x0] =	sbarrier.arrive $0xFFFF  }
0x33: {  	[tilespmem:s17], [sflag:$0x1] =	stream.indirect.gather [hbm4b:s5+s18], $0x80, s23, s18, $0xb8;
	[tilespmem:$0x1CF00] =	vst v63  }
0x34: {  	_ =	swait.ge [sflag:s19], $0x4000  }
0x35: {  	[sflag:s19] =	ssyncset.done $0x0  }
0x36: {  	s31 =	simm.s32 $0x2780;
	[sflag:s19] =	ssyncadd.s32 $0xFFFFC000  }
0x37: {  	[spmem:s3] =	stream.indirect.scatter.add.f32 [tilespmem:s17], [sflag:$0x2], $0x80, s31, s18, $0xb8;
	[tilespmem:$0x1CF00] =	vst v63  }
0x38: {  	_ =	swait.ge [sflag:s15], $0x4000  }
0x39: {  	s24 =	simm.s32 $0x400;
	s23 =	simm.s32 $0x200;
	[sflag:s15] =	ssyncset.done $0x0  }
.LBB2_2:
0x3a: {  	s25 =	sshra.s32 s23, $0x2  }
0x3b: {  	[sflag:s15] =	ssyncadd.s32 $0xFFFFC000;
	s23 =	smov.u32 s24;
	s26 =	sadd.s32 $0x200, s24  }
0x3c: {  	[tilespmem:s17], [sflag:$0x1] =	stream.indirect.gather [hbm4b:s5+s18], $0x80, s25, s18, $0xb8;
	[tilespmem:$0x1CF00] =	vst v63  }
0x3d: {  	p0 =	sne.s32 s24, $0x9C00;
	_ =	swait.ge [sflag:s19], $0x4000  }
.Ltmp0:
0x3e: {  	[sflag:s19] =	ssyncset.done $0x0;
	(pc) =	sbr.rel @p0 .LBB2_2-.Ltmp0, $4  }
0x3f: {  	s24 =	sadd.s32 $0x2780, s25;
	[sflag:s19] =	ssyncadd.s32 $0xFFFFC000  }
0x40: {  	[spmem:s3] =	stream.indirect.scatter.add.f32 [tilespmem:s17], [sflag:$0x2], $0x80, s24, s18, $0xb8;
	[tilespmem:$0x1CF00] =	vst v63  }
0x41: {  	_ =	swait.ge [sflag:s15], $0x4000  }
0x42: {  	s24 =	smov.u32 s26;
	[sflag:s15] =	ssyncset.done $0x0  }
0x43: {  	s23 =	sshra.s32 s23, $0x2;
	[sflag:s15] =	ssyncadd.s32 $0xFFFFC000  }
0x44: {  	[tilespmem:s17], [sflag:$0x1] =	stream.indirect.gather [hbm4b:s5+s18], $0x80, s23, s18, $0xb8;
	[tilespmem:$0x1CF00] =	vst v63  }
0x45: {  	_ =	swait.ge [sflag:s19], $0x4000  }
0x46: {  	[sflag:s19] =	ssyncset.done $0x0  }
0x47: {  	s23 =	sadd.s32 $0x2780, s23;
	[sflag:s19] =	ssyncadd.s32 $0xFFFFC000  }
0x48: {  	[spmem:s3] =	stream.indirect.scatter.add.f32 [tilespmem:s17], [sflag:$0x2], $0x80, s23, s18, $0xb8;
	[tilespmem:$0x1CF00] =	vst v63  }
0x49: {  	_ =	swait.ge [sflag:s15], $0x4000  }
0x4a: {  	s22 =	sadd.s32 $0x1, s22;
	[sflag:s15] =	ssyncset.done $0x0  }
0x4b: {  	p0 =	sne.s32 s22, s14;
	[sflag:s15] =	ssyncadd.s32 $0xFFFFC000  }
.Ltmp1:
0x4c: {  	[bflag:$0x0] =	sbarrier.arrive $0xFFFF;
	(pc) =	sbr.rel @p0 .LBB2_1-.Ltmp1, $4  }
0x4d: {  	[hbm:s13], [sflag:s20] =	dma.local [spmem:s21], $0x2800  }
0x4e: {  	_ =	swait.ge [sflag:s15], $0x2800  }
0x4f: {  	[sflag:s15] =	ssyncset.done $0x0  }
0x50: {  	[sflag:s15] =	ssyncadd.s32 $0xFFFFD800  }
0x51: {  	_ =	sfence.sel $0x180000  }
0x52: {  	[bflag:$0x0] =	sbarrier.arrive $0xFFFF  }
0x53: {  	p0 =	sne.s32 s1, $0x0;
	_ =	strace $0x9000004D  }
0x54: {  	s0 =	sadd.s32 @!p0 $0x100000, s0;
	[bflag:$0x2] =	sbarrier.arrive $0xFFFF  }
0x55: {  	[sflag:s0] =	ssyncadd.tile.s32 @!p0 $0x1;
	_ =	shalt  }
.Lfunc_end2:
_tile_overlayer_lowered:
.L_overlay_start_2:
0x56: {  	(tag) =	ssettag $0x2  }
0x57: {  	s0 =	rddreg [dreg:$0x0];
	s2 =	stileid.u32  }
0x58: {  	s1 =	rddreg [dreg:$0x1];
	p0 =	sne.s32 s2, $0x0  }
0x59: {  	s3 =	rddreg [dreg:$0x2];
	[bflag:$0x3] =	sbarrier.arrive $0xFFFF;
	s2 =	simm.s32 @!p0 $0x1C02  }
0x5a: {  	[timem:s3], [sflag:s2] =	dma.local @!p0 [hbm:s0], s1  }
0x5b: {  	s0 =	simm.s32 @!p0 $0x2  }
0x5c: {  	_ =	swait.ge @!p0 [sflag:s0], s1  }
0x5d: {  	s1 =	ssub.s32 @!p0 $0x0, s1;
	[sflag:s0] =	ssyncset.done @!p0 $0x0  }
0x5e: {  	[sflag:s0] =	ssyncadd.s32 @!p0 s1  }
0x5f: {  	[bflag:$0x3] =	sbarrier.arrive $0xFFFF  }
0x60: {  	_ =	shalt  }

// kernel: kernel.19.cloned.1.call-start
scs
__scs_entry_jumppad:
0x0: {  	(pc) =	sbr.rel $0x88, $3  }
0x1: {  	(tag) =	ssettag $0x0;
	lr =	simm.s32 $0x1  }
0x2: {  	[smem:$0x3F95] =	sst lr;
	_ =	strace $0xD0000000  }
0x3: {  	_ = 	snop  }
0x4: {  	_ = 	snop  }
0x5: {  	_ = 	snop  }
0x6: {  	_ = 	snop  }
0x7: {  	_ = 	snop  }
__scs_overlays_trampoline_lowered:
0x8: {  	[smem:$0x3FA4] =	sst s0  }
0x9: {  	[smem:$0x3FA5] =	sst s1  }
0xa: {  	[smem:$0x3FA6] =	sst s2  }
0xb: {  	[smem:$0x3FA7] =	sst s3  }
0xc: {  	[smem:$0x3FA8] =	sst s4  }
0xd: {  	[smem:$0x3FA9] =	sst s5  }
0xe: {  	[smem:$0x3FAA] =	sst s6  }
0xf: {  	[smem:$0x3FAB] =	sst s7  }
0x10: {  	[smem:$0x3FAC] =	sst s8  }
0x11: {  	[smem:$0x3FAD] =	sst s9;
	s0 =	simm.s32 @!p0 $0x0  }
0x12: {  	s1 =	sld [smem:$0x3F93];
	s0 =	simm.s32 @p0 $0x1  }
0x13: {  	[smem:$0x3FAE] =	sst s0;
	s0 =	simm.s32 @!p1 $0x0  }
0x14: {  	s2 =	sld [smem:$0x3F92];
	s0 =	simm.s32 @p1 $0x1  }
0x15: {  	[smem:$0x3FAF] =	sst s0;
	s0 =	simm.s32 @!p2 $0x0  }
0x16: {  	s3 =	sld [smem:$0x3FDB];
	s0 =	simm.s32 @p2 $0x1  }
0x17: {  	s4 =	simm.s32 $0x1BF5;
	[smem:$0x3FB1] =	sst s0  }
0x18: {  	s0 =	sld [smem:$0x3F94];
	_ =	swait.ge [sflag:s4], $0x0  }
0x19: {  	s7 =	sld [smem:$0x3F95]  }
0x1a: {  	s8 =	sadd.s32 $0xFFFFE003, lr  }
0x1b: {  	s9 =	sadd.s32 $0xFFFFFEF7, lr;
	s5 =	simm.s32 $0xFFFFFFFF;
	p2 =	slt.u32 s8, $0xFFFFF086  }
0x1c: {  	p1 =	slt.u32 s9, $0xF7A;
	s5 =	simm.s32 @!p2 $0x0  }
0x1d: {  	s5 =	simm.s32 @p1 $0x1;
	p0 =	seq.s32 s7, s2  }
0x1e: {  	s7 =	smul.u32 @!p0 $0xF7A, s2;
	p2 =	seq.s32 @!p0 s5, $0x0  }
0x1f: {  	s9 =	smul.u32 $0xF7A, s1;
	s8 =	simm.s32 @!p0 $0x1BF5;
	p2 =	por !p2, p0  }
0x20: {  	[sflag:s8] =	ssyncset.s32 @!p0 $0xFFFFF086;
	s6 =	sadd.s32 @!p0 s3, s7;
	s7 =	simm.s32 @!p0 $0x108  }
0x21: {  	s3 =	sadd.s32 s3, s9;
	s6 =	sadd.s32 @!p0 $0x88, s6;
	s7 =	simm.s32 @p2 $0x1082  }
0x22: {  	[simem:s7], [sflag:s8] =	dma.local @!p0 [hbm:s6], $0xF7A  }
0x23: {  	s9 =	sor.u32 $0xD0000000, s2;
	s6 =	simm.s32 $0x108;
	_ =	swait.ge @!p0 [sflag:s8], $0x0  }
0x24: {  	s3 =	sadd.s32 $0x88, s3;
	s6 =	simm.s32 @!p1 $0x1082;
	[sflag:s4] =	ssyncset.s32 $0xFFFFF086  }
0x25: {  	[simem:s6], [sflag:s4] =	dma.local [hbm:s3], $0xF7A  }
0x26: {  	[smem:$0x3F95] =	sst s1;
	(tag) =	ssettag s2;
	_ =	strace s9  }
0x27: {  	s1 =	sld [smem:$0x3FA5]  }
0x28: {  	s2 =	sld [smem:$0x3FA6]  }
0x29: {  	s4 =	sld [smem:$0x3FA8]  }
0x2a: {  	p0 =	seq.s32 s5, $0x0;
	s5 =	sld [smem:$0x3FA9]  }
0x2b: {  	s6 =	sld [smem:$0x3FAA]  }
0x2c: {  	s7 =	sld [smem:$0x3FAB]  }
0x2d: {  	s3 =	simm.s32 $0x108;
	s8 =	sld [smem:$0x3FAC]  }
0x2e: {  	s3 =	simm.s32 @!p0 $0x1082;
	s9 =	sld [smem:$0x3FAD]  }
0x2f: {  	lr =	sadd.s32 s0, s3;
	s0 =	sld [smem:$0x3FA4]  }
0x30: {  	s3 =	sld [smem:$0x3FA7]  }
0x31: {  	[smem:$0x3FB0] =	sst s10  }
0x32: {  	s10 =	sld [smem:$0x3FAE];
	_ =	sdelay $0x3  }
0x33: {  	p0 =	seq.s32 s10, $0x1;
	s10 =	sld [smem:$0x3FB0];
	_ =	sdelay $0x3  }
0x34: {  	[smem:$0x3FB0] =	sst s10  }
0x35: {  	s10 =	sld [smem:$0x3FAF];
	_ =	sdelay $0x3  }
0x36: {  	p1 =	seq.s32 s10, $0x1;
	s10 =	sld [smem:$0x3FB0];
	_ =	sdelay $0x3  }
0x37: {  	[smem:$0x3FB0] =	sst s10  }
0x38: {  	s10 =	sld [smem:$0x3FB1]  }
0x39: {  	_ = 	snop;
	(pc) =	sbr.ind lr, $3  }
0x3a: {  	_ = 	snop  }
0x3b: {  	_ = 	snop  }
0x3c: {  	p2 =	seq.s32 s10, $0x1;
	s10 =	sld [smem:$0x3FB0]  }
0x3d: {  	_ =	shalt  }
0x3e: {  	_ =	shalt  }
0x3f: {  	_ =	shalt  }
0x40: {  	_ =	shalt  }
0x41: {  	_ =	shalt  }
0x42: {  	_ =	shalt  }
0x43: {  	_ =	shalt  }
0x44: {  	_ =	shalt  }
0x45: {  	_ =	shalt  }
0x46: {  	_ =	shalt  }
0x47: {  	_ =	shalt  }
0x48: {  	_ =	shalt  }
0x49: {  	_ =	shalt  }
0x4a: {  	_ =	shalt  }
0x4b: {  	_ =	shalt  }
0x4c: {  	_ =	shalt  }
0x4d: {  	_ =	shalt  }
0x4e: {  	_ =	shalt  }
0x4f: {  	_ =	shalt  }
0x50: {  	_ =	shalt  }
0x51: {  	_ =	shalt  }
0x52: {  	_ =	shalt  }
0x53: {  	_ =	shalt  }
0x54: {  	_ =	shalt  }
0x55: {  	_ =	shalt  }
0x56: {  	_ =	shalt  }
0x57: {  	_ =	shalt  }
0x58: {  	_ =	shalt  }
0x59: {  	_ =	shalt  }
0x5a: {  	_ =	shalt  }
0x5b: {  	_ =	shalt  }
0x5c: {  	_ =	shalt  }
0x5d: {  	_ =	shalt  }
0x5e: {  	_ =	shalt  }
0x5f: {  	_ =	shalt  }
0x60: {  	_ =	shalt  }
0x61: {  	_ =	shalt  }
0x62: {  	_ =	shalt  }
0x63: {  	_ =	shalt  }
0x64: {  	_ =	shalt  }
0x65: {  	_ =	shalt  }
0x66: {  	_ =	shalt  }
0x67: {  	_ =	shalt  }
0x68: {  	_ =	shalt  }
0x69: {  	_ =	shalt  }
0x6a: {  	_ =	shalt  }
0x6b: {  	_ =	shalt  }
0x6c: {  	_ =	shalt  }
0x6d: {  	_ =	shalt  }
0x6e: {  	_ =	shalt  }
0x6f: {  	_ =	shalt  }
0x70: {  	_ =	shalt  }
0x71: {  	_ =	shalt  }
0x72: {  	_ =	shalt  }
0x73: {  	_ =	shalt  }
0x74: {  	_ =	shalt  }
0x75: {  	_ =	shalt  }
0x76: {  	_ =	shalt  }
0x77: {  	_ =	shalt  }
0x78: {  	_ =	shalt  }
0x79: {  	_ =	shalt  }
0x7a: {  	_ =	shalt  }
0x7b: {  	_ =	shalt  }
0x7c: {  	_ =	shalt  }
0x7d: {  	_ =	shalt  }
0x7e: {  	_ =	shalt  }
0x7f: {  	_ =	shalt  }
0x80: {  	_ =	shalt  }
0x81: {  	_ =	shalt  }
0x82: {  	_ =	shalt  }
0x83: {  	_ =	shalt  }
0x84: {  	_ =	shalt  }
0x85: {  	_ =	shalt  }
0x86: {  	_ =	shalt  }
0x87: {  	_ =	shalt  }
.Lfunc_end0:
.L_simem_size_0:
called_computation.3_lowered:
.L_overlay_start_0:
0x88: {  	s2 =	sld [smem:$0x3FD9]  }
0x89: {  	s3 =	sld [smem:$0x3FFE];
	_ =	sdelay $0x1  }
0x8a: {  	s1 =	srdreg.scid  }
0x8b: {  	s0 =	sand.u32 $0x1, s1  }
0x8c: {  	s17 =	sshll.u32 s0, $0xA;
	s2 =	sadd.s32 s3, s2  }
0x8d: {  	s2 =	sadd.s32 s2, s17  }
0x8e: {  	[smem:$0x3FBC] =	sst s2  }
0x8f: {  	_ = 	snop  }
0x90: {  	s2 =	sld [smem:$0x3FD0];
	(tm) =	ssettm $0x1  }
0x91: {  	s18 =	sld [smem:$0x3FFB];
	_ =	sdelay $0x3  }
0x92: {  	_ =	strace s18  }
0x93: {  	s3 =	sld [smem:$0x3FFC];
	_ =	sdelay $0x3  }
0x94: {  	_ =	strace s3  }
0x95: {  	s3 =	sld [smem:$0x3FFD];
	_ =	sdelay $0x3  }
0x96: {  	_ =	strace s3  }
0x97: {  	_ =	strace $0x8FFFFFFF  }
0x98: {  	s19 =	sld [smem:$0x3FDB];
	_ =	sdelay $0x1  }
0x99: {  	s4 =	simm.s32 $_scs_section_size  }
0x9a: {  	s5 =	simm.s32 $_size__tile_overlayer_lowered;
	s6 =	simm.s32 $_tile_overlayer_lowered  }
0x9b: {  	s22 =	simm.s32 $0x1BFF;
	s21 =	sshll.u32 s6, $0x1;
	s3 =	sadd.s32 s4, s19  }
0x9c: {  	s7 =	simm.s32 $0x0;
	s20 =	sshll.u32 s5, $0x1;
	s5 =	sadd.s32 s21, s3  }
0x9d: {  	[timem:s7], [sflag:s22] =	dma.local [hbm:s5], s20  }
0x9e: {  	_ =	swait.ge [sflag:s22], s20  }
0x9f: {  	s4 =	ssub.s32 $0x0, s20;
	[sflag:s22] =	ssyncset.done $0x0  }
0xa0: {  	[sflag:s22] =	ssyncadd.s32 s4;
	_ =	sdelay $0x1  }
0xa1: {  	s23 =	simm.s32 $0x1B8B  }
0xa2: {  	_ =	swait.ge [sflag:s23], $0x1  }
0xa3: {  	[sflag:s23] =	ssyncset.done $0x0  }
0xa4: {  	s25 =	simm.s32 $0x1B8E;
	s24 =	sld [smem:$0x3FFE];
	[sflag:s23] =	ssyncadd.s32 $0xFFFFFFFF  }
0xa5: {  	s26 =	simm.s32 $execute0_lowered;
	[smem:$0x3FD2] =	sst s25  }
0xa6: {  	s5 =	sshll.u32 s26, $0x1;
	_ =	strace $0x8000004F;
	[dreg:$0x1] =	wrdreg $0xFFFFFFFF  }
0xa7: {  	s28 =	simm.s32 $_size_execute0_lowered;
	s3 =	sadd.s32 s3, s5;
	[dreg:$0x0] =	wrdreg $0x0  }
0xa8: {  	s5 =	sshll.u32 s28, $0x1;
	[dreg:$0x2] =	wrdreg s3  }
0xa9: {  	[dreg:$0x3] =	wrdreg s5  }
0xaa: {  	[dreg:$0x4] =	wrdreg $0xC0  }
0xab: {  	_ =	task [dreg:s7], $0x5FFFF  }
0xac: {  	[dreg:$0x1] =	wrdreg $0xFFFFFFFF  }
0xad: {  	[dreg:$0x0] =	wrdreg $0x60  }
0xae: {  	[dreg:$0x2] =	wrdreg s24  }
0xaf: {  	[dreg:$0x3] =	wrdreg s2  }
0xb0: {  	[dreg:$0x4] =	wrdreg $0x67000  }
0xb1: {  	[dreg:$0x5] =	wrdreg $0x9  }
0xb2: {  	_ =	task.clear_ibuf [dreg:s7], $0x6FFFF;
	_ =	strace $0x9000004F  }
0xb3: {  	s29 =	simm.s32 $0x9;
	_ =	strace $0x80000051  }
0xb4: {  	_ =	swait.ge [sflag:s29], $0x1  }
0xb5: {  	[sflag:s29] =	ssyncadd.s32 $0xFFFFFFFF  }
0xb6: {  	_ =	strace $0x90000051  }
0xb7: {  	_ =	sfence  }
0xb8: {  	s30 =	sld [smem:$0x0];
	_ =	sdelay $0x2  }
0xb9: {  	s31 =	sshll.u32 s1, $0xD;
	s1 =	sshrl.u32 s1, $0x2  }
0xba: {  	s3 =	sand.u32 $0x4000, s31;
	s1 =	sadd.s32 s1, s30  }
0xbb: {  	s0 =	sor.u32 s3, s0;
	s1 =	sshll.u32 s1, $0x11  }
0xbc: {  	s0 =	sor.u32 s1, s0  }
0xbd: {  	s0 =	sadd.s32 $0x8F2B, s0  }
0xbe: {  	[sflag:s0] =	ssyncadd.remote.s32 $0x1  }
0xbf: {  	_ =	sfence.sel $0xFFFF  }
0xc0: {  	[dreg:$0x0] =	wrdreg $0xFFFFFFFF;
	(pc) =	sbr.abs _section_cstart, $3  }
0xc1: {  	[dreg:$0x1] =	wrdreg $0xFFFFFFFF  }
0xc2: {  	_ =	task.clear_ibuf [dreg:s7], $0x2FFFF;
	_ =	strace $0x9FFFFFFF  }
0xc3: {  	(tm) =	ssettm $0x7FFFFFFF  }
tec
execute0_lowered:
.L_overlay_start_1:
0x0: {  	(tag) =	ssettag $0x1  }
0x1: {  	s6 =	rddreg [dreg:$0x0]  }
0x2: {  	s2 =	rddreg [dreg:$0x1]  }
0x3: {  	s3 =	rddreg [dreg:$0x2]  }
0x4: {  	s0 =	rddreg [dreg:$0x3];
	s5 =	srdreg.scid  }
0x5: {  	s1 =	stileid.u32;
	s4 =	simm.s32 $0x0;
	s15 =	simm.s32 $0x2  }
0x6: {  	s16 =	simm.s32 $0x2780;
	s17 =	simm.s32 $0x4F00;
	s18 =	simm.s32 $0x80  }
0x7: {  	s19 =	simm.s32 $0x1;
	s22 =	simm.s32 $0x0;
	s7 =	sand.u32 $0x1, s5  }
0x8: {  	s8 =	smul.u32 $0x7800, s1;
	[smem:$0x7FF] =	sst s4;
	s29 =	sshll.u32 s1, $0x1  }
0x9: {  	s5 =	sadd.s32 $0x49600, s6;
	s11 =	smul.u32 $0x1E000, s1;
	s20 =	sshll.u32 s1, $0x6  }
0xa: {  	s9 =	smul.u32 $0x78000, s7;
	_ =	strace $0x80000050;
	s10 =	sor.u32 s7, s29  }
0xb: {  	s7 =	ssub.s32 $0x2, s7;
	s20 =	sor.u32 $0x1C02, s20;
	s10 =	smul.u32 $0x4F0, s10  }
0xc: {  	s30 =	sshrl.u32 s7, $0x1;
	s31 =	sshrl.u32 s11, $0x2;
	s9 =	sadd.s32 s8, s9  }
0xd: {  	s14 =	ssub.s32 s7, s30;
	s8 =	sadd.s32 s8, s3;
	s12 =	sadd.s32 s31, s3  }
0xe: {  	s9 =	sshrl.u32 s9, $0x3;
	s10 =	sadd.s32 s10, s6;
	s11 =	sadd.s32 $0x4800, s12  }
0xf: {  	s14 =	smax.u32 s14, $0x1;
	s21 =	sshrl.u32 s8, $0x3;
	s13 =	sadd.s32 s9, s6  }
0x10: {  	s6 =	sadd.s32 $0x3F800, s10;
	s7 =	sadd.s32 $0x3400, s10;
	s9 =	sadd.s32 $0x1800, s12  }
0x11: {  	s10 =	sadd.s32 $0x3000, s12;
	s12 =	sadd.s32 $0x6000, s12;
	s13 =	sadd.s32 $0xD400, s13  }
.LBB2_1:
0x12: {  	[tilespmem:s4], [sflag:$0x2] =	stream.linear.gather [hbm4b:s6+s4], $0x2780, $0x38;
	[tilespmem:$0xDF00] =	vst v63  }
0x13: {  	_ =	swait.ge [sflag:s15], $0x2780  }
0x14: {  	[sflag:s15] =	ssyncset.done $0x0  }
0x15: {  	[sflag:s15] =	ssyncadd.s32 $0xFFFFD880  }
0x16: {  	[tilespmem:s16], [sflag:$0x2] =	stream.linear.gather [hbm4b:s7+s4], $0x2780, $0x38;
	[tilespmem:$0xDF00] =	vst v63  }
0x17: {  	_ =	swait.ge [sflag:s15], $0x2780  }
0x18: {  	[sflag:s15] =	ssyncset.done $0x0  }
0x19: {  	[sflag:s15] =	ssyncadd.s32 $0xFFFFD880  }
0x1a: {  	[tilespmem:s17], [sflag:$0x2] =	stream.linear.gather [hbm4b:s2+s4], $0x1800, $0x38;
	[tilespmem:$0xDF00] =	vst v63  }
0x1b: {  	_ =	swait.ge [sflag:s15], $0x1800  }
0x1c: {  	[sflag:s15] =	ssyncset.done $0x0  }
0x1d: {  	[sflag:s15] =	ssyncadd.s32 $0xFFFFE800  }
0x1e: {  	[spmem:s8] =	stream.linear.scatter [tilespmem:s17], [sflag:$0x2], $0x1800, $0x38;
	[tilespmem:$0xDF00] =	vst v63  }
0x1f: {  	_ =	swait.ge [sflag:s15], $0x1800  }
0x20: {  	[sflag:s15] =	ssyncset.done $0x0  }
0x21: {  	[sflag:s15] =	ssyncadd.s32 $0xFFFFE800  }
0x22: {  	[spmem:s9] =	stream.linear.scatter [tilespmem:s17], [sflag:$0x2], $0x1800, $0x38;
	[tilespmem:$0xDF00] =	vst v63  }
0x23: {  	_ =	swait.ge [sflag:s15], $0x1800  }
0x24: {  	[sflag:s15] =	ssyncset.done $0x0  }
0x25: {  	[sflag:s15] =	ssyncadd.s32 $0xFFFFE800  }
0x26: {  	[spmem:s10] =	stream.linear.scatter [tilespmem:s17], [sflag:$0x2], $0x1800, $0x38;
	[tilespmem:$0xDF00] =	vst v63  }
0x27: {  	_ =	swait.ge [sflag:s15], $0x1800  }
0x28: {  	[sflag:s15] =	ssyncset.done $0x0  }
0x29: {  	[sflag:s15] =	ssyncadd.s32 $0xFFFFE800  }
0x2a: {  	[spmem:s11] =	stream.linear.scatter [tilespmem:s17], [sflag:$0x2], $0x1800, $0x38;
	[tilespmem:$0xDF00] =	vst v63  }
0x2b: {  	_ =	swait.ge [sflag:s15], $0x1800  }
0x2c: {  	[sflag:s15] =	ssyncset.done $0x0  }
0x2d: {  	[sflag:s15] =	ssyncadd.s32 $0xFFFFE800  }
0x2e: {  	[spmem:s12] =	stream.linear.scatter [tilespmem:s17], [sflag:$0x2], $0x1800, $0x38;
	[tilespmem:$0xDF00] =	vst v63  }
0x2f: {  	_ =	swait.ge [sflag:s15], $0x1800  }
0x30: {  	[sflag:s15] =	ssyncset.done $0x0  }
0x31: {  	[sflag:s15] =	ssyncadd.s32 $0xFFFFE800  }
0x32: {  	s23 =	simm.s32 $0x0;
	[bflag:$0x0] =	sbarrier.arrive $0xFFFF  }
0x33: {  	[tilespmem:s17], [sflag:$0x1] =	stream.indirect.gather [hbm4b:s5+s18], $0x30, s23, s18, $0xb8;
	[tilespmem:$0xDF00] =	vst v63  }
0x34: {  	_ =	swait.ge [sflag:s19], $0x1800  }
0x35: {  	[sflag:s19] =	ssyncset.done $0x0  }
0x36: {  	s31 =	simm.s32 $0x2780;
	[sflag:s19] =	ssyncadd.s32 $0xFFFFE800  }
0x37: {  	[spmem:s3] =	stream.indirect.scatter.add.f32 [tilespmem:s17], [sflag:$0x2], $0x30, s31, s18, $0xb8;
	[tilespmem:$0xDF00] =	vst v63  }
0x38: {  	_ =	swait.ge [sflag:s15], $0x1800  }
0x39: {  	s24 =	simm.s32 $0x400;
	s23 =	simm.s32 $0x200;
	[sflag:s15] =	ssyncset.done $0x0  }
.LBB2_2:
0x3a: {  	s25 =	sshra.s32 s23, $0x2  }
0x3b: {  	[sflag:s15] =	ssyncadd.s32 $0xFFFFE800;
	s23 =	smov.u32 s24;
	s26 =	sadd.s32 $0x200, s24  }
0x3c: {  	[tilespmem:s17], [sflag:$0x1] =	stream.indirect.gather [hbm4b:s5+s18], $0x30, s25, s18, $0xb8;
	[tilespmem:$0xDF00] =	vst v63  }
0x3d: {  	p0 =	sne.s32 s24, $0x9C00;
	_ =	swait.ge [sflag:s19], $0x1800  }
.Ltmp0:
0x3e: {  	[sflag:s19] =	ssyncset.done $0x0;
	(pc) =	sbr.rel @p0 .LBB2_2-.Ltmp0, $4  }
0x3f: {  	s24 =	sadd.s32 $0x2780, s25;
	[sflag:s19] =	ssyncadd.s32 $0xFFFFE800  }
0x40: {  	[spmem:s3] =	stream.indirect.scatter.add.f32 [tilespmem:s17], [sflag:$0x2], $0x30, s24, s18, $0xb8;
	[tilespmem:$0xDF00] =	vst v63  }
0x41: {  	_ =	swait.ge [sflag:s15], $0x1800  }
0x42: {  	s24 =	smov.u32 s26;
	[sflag:s15] =	ssyncset.done $0x0  }
0x43: {  	s23 =	sshra.s32 s23, $0x2;
	[sflag:s15] =	ssyncadd.s32 $0xFFFFE800  }
0x44: {  	[tilespmem:s17], [sflag:$0x1] =	stream.indirect.gather [hbm4b:s5+s18], $0x30, s23, s18, $0xb8;
	[tilespmem:$0xDF00] =	vst v63  }
0x45: {  	_ =	swait.ge [sflag:s19], $0x1800  }
0x46: {  	[sflag:s19] =	ssyncset.done $0x0  }
0x47: {  	s23 =	sadd.s32 $0x2780, s23;
	[sflag:s19] =	ssyncadd.s32 $0xFFFFE800  }
0x48: {  	[spmem:s3] =	stream.indirect.scatter.add.f32 [tilespmem:s17], [sflag:$0x2], $0x30, s23, s18, $0xb8;
	[tilespmem:$0xDF00] =	vst v63  }
0x49: {  	_ =	swait.ge [sflag:s15], $0x1800  }
0x4a: {  	s22 =	sadd.s32 $0x1, s22;
	[sflag:s15] =	ssyncset.done $0x0  }
0x4b: {  	p0 =	sne.s32 s22, s14;
	[sflag:s15] =	ssyncadd.s32 $0xFFFFE800  }
.Ltmp1:
0x4c: {  	[bflag:$0x0] =	sbarrier.arrive $0xFFFF;
	(pc) =	sbr.rel @p0 .LBB2_1-.Ltmp1, $4  }
0x4d: {  	[hbm:s13], [sflag:s20] =	dma.local [spmem:s21], $0xF00  }
0x4e: {  	_ =	swait.ge [sflag:s15], $0xF00  }
0x4f: {  	[sflag:s15] =	ssyncset.done $0x0  }
0x50: {  	[sflag:s15] =	ssyncadd.s32 $0xFFFFF100  }
0x51: {  	_ =	sfence.sel $0x180000  }
0x52: {  	[bflag:$0x0] =	sbarrier.arrive $0xFFFF  }
0x53: {  	p0 =	sne.s32 s1, $0x0;
	_ =	strace $0x90000050  }
0x54: {  	s0 =	sadd.s32 @!p0 $0x100000, s0;
	[bflag:$0x2] =	sbarrier.arrive $0xFFFF  }
0x55: {  	[sflag:s0] =	ssyncadd.tile.s32 @!p0 $0x1;
	_ =	shalt  }
.Lfunc_end2:
_tile_overlayer_lowered:
.L_overlay_start_2:
0x56: {  	(tag) =	ssettag $0x2  }
0x57: {  	s0 =	rddreg [dreg:$0x0];
	s2 =	stileid.u32  }
0x58: {  	s1 =	rddreg [dreg:$0x1];
	p0 =	sne.s32 s2, $0x0  }
0x59: {  	s3 =	rddreg [dreg:$0x2];
	[bflag:$0x3] =	sbarrier.arrive $0xFFFF;
	s2 =	simm.s32 @!p0 $0x1C02  }
0x5a: {  	[timem:s3], [sflag:s2] =	dma.local @!p0 [hbm:s0], s1  }
0x5b: {  	s0 =	simm.s32 @!p0 $0x2  }
0x5c: {  	_ =	swait.ge @!p0 [sflag:s0], s1  }
0x5d: {  	s1 =	ssub.s32 @!p0 $0x0, s1;
	[sflag:s0] =	ssyncset.done @!p0 $0x0  }
0x5e: {  	[sflag:s0] =	ssyncadd.s32 @!p0 s1  }
0x5f: {  	[bflag:$0x3] =	sbarrier.arrive $0xFFFF  }
0x60: {  	_ =	shalt  }

</sc_bundles>
